<compile_context>
chip_gen: v7x
topology: tpu7x:2x2x1
jax: 0.10.2.dev20260603
libtpu: 0.0.44.dev20260713+nightly
codegen_flags: <defaults>
</compile_context>

<pallas_src>
import dataclasses
import functools

import jax
import jax.numpy as jnp
from jax import lax
from jax.experimental import pallas as pl
from jax.experimental.pallas import tpu as pltpu
from jax.experimental.pallas import tpu_sc as plsc

E = 8
TOPX = 2
D = 1024
N = 2048
NTOP = N * TOPX

BT = 512
S = NTOP + E * BT
T_PAD = S // BT

BTOK = 512
EPAD = 128

SC_NC = 2
SC_NS = 16
SC_NW = SC_NC * SC_NS

NEG = -1e30


def _sc_compiler_params():
    cp = pltpu.CompilerParams()
    if "needs_layout_passes" in pltpu.CompilerParams.__dataclass_fields__:
        cp = dataclasses.replace(cp, needs_layout_passes=False)
    return cp


def _router_body(x_ref, wg_ref, bg_ref, i1_ref, i2_ref, q1_ref, q2_ref):
    logits = jnp.dot(x_ref[...], wg_ref[...],
                     preferred_element_type=jnp.float32)
    logits = logits + bg_ref[...]
    ids = lax.broadcasted_iota(jnp.int32, logits.shape, 1)
    valid = ids < E
    logits = jnp.where(valid, logits, NEG)
    m1 = jnp.max(logits, axis=1, keepdims=True)
    i1 = jnp.min(jnp.where(logits == m1, ids, E), axis=1, keepdims=True)
    rest = jnp.where((ids != i1) & valid, logits, NEG)
    m2 = jnp.max(rest, axis=1, keepdims=True)
    i2 = jnp.min(jnp.where(rest == m2, ids, E), axis=1, keepdims=True)
    ed = jnp.exp(m2 - m1)
    p1 = 1.0 / (1.0 + ed)
    p2 = ed / (1.0 + ed)
    e21 = jnp.exp(p2 - p1)
    i1_ref[...] = i1
    i2_ref[...] = i2
    q1_ref[...] = 1.0 / (1.0 + e21)
    q2_ref[...] = e21 / (1.0 + e21)


def _router(x, wg_pad, bg_pad, *, interpret=False):
    grid = (N // BTOK,)
    out1 = jax.ShapeDtypeStruct((N, 1), jnp.int32)
    outf = jax.ShapeDtypeStruct((N, 1), jnp.float32)
    return pl.pallas_call(
        _router_body,
        grid=grid,
        in_specs=[
            pl.BlockSpec((BTOK, D), lambda t: (t, 0)),
            pl.BlockSpec((D, EPAD), lambda t: (0, 0)),
            pl.BlockSpec((1, EPAD), lambda t: (0, 0)),
        ],
        out_specs=[
            pl.BlockSpec((BTOK, 1), lambda t: (t, 0)),
            pl.BlockSpec((BTOK, 1), lambda t: (t, 0)),
            pl.BlockSpec((BTOK, 1), lambda t: (t, 0)),
            pl.BlockSpec((BTOK, 1), lambda t: (t, 0)),
        ],
        out_shape=[out1, out1, outf, outf],
        interpret=interpret,
    )(x, wg_pad, bg_pad)


def _sc_dispatch(x, p0, p1):
    per_w = N // SC_NW
    mesh = plsc.VectorSubcoreMesh(core_axis_name="c", subcore_axis_name="s")

    @functools.partial(
        pl.kernel, mesh=mesh, name="sc_dispatch_scatter",
        out_type=jax.ShapeDtypeStruct((S, D), jnp.float32),
        scratch_types=[
            pltpu.VMEM((per_w,), jnp.int32),
            pltpu.VMEM((per_w,), jnp.int32),
            pltpu.VMEM((per_w, D), jnp.float32),
            pltpu.SemaphoreType.DMA,
            pltpu.SemaphoreType.DMA,
        ],
    )
    def dispatch_k(x_hbm, p0_hbm, p1_hbm, out_hbm, ia, ib, xb, sa, sb):
        wid = lax.axis_index("s") * SC_NC + lax.axis_index("c")
        base = wid * per_w
        pltpu.sync_copy(p0_hbm.at[pl.ds(base, per_w)], ia)
        pltpu.sync_copy(p1_hbm.at[pl.ds(base, per_w)], ib)
        pltpu.sync_copy(x_hbm.at[pl.ds(base, per_w)], xb)
        c0 = pltpu.async_copy(xb, out_hbm.at[ia], sa)
        c1 = pltpu.async_copy(xb, out_hbm.at[ib], sb)
        c0.wait()
        c1.wait()

    return dispatch_k(x, p0, p1)


def _ffn_body(meta_ref, x_ref, we_ref, be_ref, hs_ref, rs_ref):
    t = pl.program_id(0)
    n_used = meta_ref[T_PAD]

    @pl.when(t < n_used)
    def _():
        h = jnp.dot(x_ref[...], we_ref[0],
                    preferred_element_type=jnp.float32)
        h = jnp.exp(jnp.maximum(h + be_ref[0], 0.0))
        hs_ref[...] = h
        rs_ref[...] = jnp.broadcast_to(
            1.0 / jnp.sum(h, axis=1, keepdims=True), (BT, 128))


def _ffn(meta, x_pad, we, be, *, interpret=False):
    grid_spec = pltpu.PrefetchScalarGridSpec(
        num_scalar_prefetch=1,
        grid=(T_PAD,),
        in_specs=[
            pl.BlockSpec((BT, D), lambda t, m: (t, 0)),
            pl.BlockSpec((1, D, D), lambda t, m: (m[t], 0, 0)),
            pl.BlockSpec((1, 1, D), lambda t, m: (m[t], 0, 0)),
        ],
        out_specs=[
            pl.BlockSpec((BT, D), lambda t, m: (t, 0)),
            pl.BlockSpec((BT, 128), lambda t, m: (t, 0)),
        ],
    )
    return pl.pallas_call(
        _ffn_body,
        grid_spec=grid_spec,
        out_shape=[jax.ShapeDtypeStruct((S, D), jnp.float32),
                   jax.ShapeDtypeStruct((S, 128), jnp.float32)],
        interpret=interpret,
    )(meta, x_pad, we, be)


def _sc_combine(hs, rs, pos0, pos1, g0, g1):
    per_w = N // SC_NW
    ch = 32
    iters = per_w // ch
    mesh = plsc.VectorSubcoreMesh(core_axis_name="c", subcore_axis_name="s")

    @functools.partial(
        pl.kernel, mesh=mesh, name="sc_combine",
        compiler_params=_sc_compiler_params(),
        out_type=jax.ShapeDtypeStruct((N, D), jnp.float32),
        scratch_types=[
            pltpu.VMEM((ch,), jnp.int32),
            pltpu.VMEM((ch,), jnp.int32),
            pltpu.VMEM((ch,), jnp.float32),
            pltpu.VMEM((ch,), jnp.float32),
            pltpu.VMEM((ch, 128), jnp.float32),
            pltpu.VMEM((ch, 128), jnp.float32),
            pltpu.VMEM((ch, D), jnp.float32),
            pltpu.VMEM((ch, D), jnp.float32),
            pltpu.SemaphoreType.DMA,
            pltpu.SemaphoreType.DMA,
            pltpu.SemaphoreType.DMA,
            pltpu.SemaphoreType.DMA,
        ],
    )
    def combine_k(hs_hbm, rs_hbm, p0_hbm, p1_hbm, g0_hbm, g1_hbm, out_hbm,
                  i0_v, i1_v, g0_v, g1_v, v0_v, v1_v, r0_v, r1_v,
                  sem0, sem1, sem2, sem3):
        wid = lax.axis_index("s") * SC_NC + lax.axis_index("c")
        base0 = wid * per_w
        for k in range(iters):
            base = base0 + k * ch
            pltpu.sync_copy(p0_hbm.at[pl.ds(base, ch)], i0_v)
            pltpu.sync_copy(p1_hbm.at[pl.ds(base, ch)], i1_v)
            pltpu.sync_copy(g0_hbm.at[pl.ds(base, ch)], g0_v)
            pltpu.sync_copy(g1_hbm.at[pl.ds(base, ch)], g1_v)
            c0 = pltpu.async_copy(hs_hbm.at[i0_v], r0_v, sem0)
            c1 = pltpu.async_copy(hs_hbm.at[i1_v], r1_v, sem1)
            c2 = pltpu.async_copy(rs_hbm.at[i0_v], v0_v, sem2)
            c3 = pltpu.async_copy(rs_hbm.at[i1_v], v1_v, sem3)
            c2.wait()
            c3.wait()
            c0.wait()
            c1.wait()

            @pl.loop(0, ch)
            def _(r):
                lane = jnp.zeros((16,), jnp.int32) + r
                ga = plsc.load_gather(g0_v, [lane]) * v0_v.at[r, pl.ds(0, 16)][...]
                gb = plsc.load_gather(g1_v, [lane]) * v1_v.at[r, pl.ds(0, 16)][...]

                @pl.loop(0, D, step=128)
                def _(c):
                    for u in range(8):
                        slc = (r, pl.ds(c + u * 16, 16))
                        r0_v.at[slc][...] = (r0_v.at[slc][...] * ga
                                             + r1_v.at[slc][...] * gb)

            pltpu.sync_copy(r0_v, out_hbm.at[pl.ds(base, ch)])

    return combine_k(hs, rs, pos0, pos1, g0, g1)


def _dispatch_plan(top_i, gate):
    flat_e = top_i.reshape(NTOP)
    onehot = (flat_e[:, None] == jnp.arange(E, dtype=jnp.int32)[None, :])
    onehot = onehot.astype(jnp.int32)
    counts = jnp.sum(onehot, axis=0)
    rank = jnp.sum((jnp.cumsum(onehot, axis=0) - onehot) * onehot, axis=1)
    psize = ((counts + BT - 1) // BT) * BT
    pstart = jnp.concatenate([jnp.zeros((1,), jnp.int32),
                              jnp.cumsum(psize)]).astype(jnp.int32)
    pos_flat = pstart[flat_e] + rank
    n_used = pstart[E] // BT
    t_idx = jnp.arange(T_PAD, dtype=jnp.int32)
    raw = jnp.searchsorted(pstart[1:], t_idx * BT, side="right").astype(jnp.int32)
    raw = jnp.minimum(raw, E - 1)
    last_e = raw[jnp.maximum(n_used - 1, 0)]
    e_of_tile = jnp.where(t_idx < n_used, raw, last_e)
    meta = jnp.concatenate([e_of_tile, n_used[None]]).astype(jnp.int32)
    pos0 = pos_flat[0::2]
    pos1 = pos_flat[1::2]
    return meta, pos0, pos1


def kernel(inputs, Wg, bg, We, be):
    wg_pad = jnp.zeros((D, EPAD), jnp.float32).at[:, :E].set(Wg)
    bg_pad = jnp.zeros((1, EPAD), jnp.float32).at[0, :E].set(bg)
    i1, i2, q1, q2 = _router(inputs, wg_pad, bg_pad)
    top_i = jnp.concatenate([i1, i2], axis=1)
    gate = jnp.concatenate([q1, q2], axis=1)
    meta, pos0, pos1 = _dispatch_plan(top_i, gate)
    x_pad = _sc_dispatch(inputs, pos0, pos1)
    hs, rs = _ffn(meta, x_pad, We, be[:, None, :])
    return _sc_combine(hs, rs, pos0, pos1, gate[:, 0], gate[:, 1])

# --- scband reference (transcript-rebuilt; emitter-appended) ---
"""Pipeline reference for scband-mo-etop-x-71571335020841 (READ-ONLY COPY).

The authoritative reference and input builder live on the scoring server;
editing this copy changes nothing except your own understanding.
"""

import jax, jax.numpy as jnp
import numpy as np

E = 8        # number of experts
TOPX = 2     # top_x routing
D = 1024     # d_model (in_dim == out_dim for each Expert)
N = 2048     # num tokens = batch(1) * seq_len(2048)


def setup_inputs(seed: int = 0) -> dict:
    key = jax.random.key(seed)
    k0, k1, k2 = jax.random.split(key, 3)
    inputs = jax.random.normal(k0, (N, D), dtype=jnp.float32)
    # gate: nn.Linear(D, E)
    Wg = jax.random.normal(k1, (D, E), dtype=jnp.float32) * (1.0 / np.sqrt(D))
    bg = jnp.zeros((E,), dtype=jnp.float32)
    # experts: E x nn.Linear(D, D) (dropout p=0.02 is identity at inference)
    We = jax.random.normal(k2, (E, D, D), dtype=jnp.float32) * (1.0 / np.sqrt(D))
    be = jnp.zeros((E, D), dtype=jnp.float32)
    return {"inputs": inputs, "Wg": Wg, "bg": bg, "We": We, "be": be}


def reference(inputs, Wg, bg, We, be):
    # gate(inputs) -> raw logits (gate is a plain Linear)
    logits = inputs @ Wg + bg                       # [N, E]
    # get_weights_of_top_experts: topk then softmax over top-x logits
    top_w, top_i = jax.lax.top_k(logits, TOPX)      # [N, TOPX]
    top_w = jax.nn.softmax(top_w, axis=-1)
    # forward applies softmax a second time (faithful to original code)
    top_w = jax.nn.softmax(top_w, axis=-1)
    out = jnp.zeros((inputs.shape[0], We.shape[2]), dtype=jnp.float32)
    for e in range(E):
        # gate weight for tokens routed to expert e (0 if not routed);
        # torch.where(top_i == e) selects at most one slot per token since
        # topk indices are distinct -> the sum picks exactly that slot's weight.
        gate_w = jnp.sum(jnp.where(top_i == e, top_w, 0.0), axis=-1)  # [N]
        # Expert: softmax(dropout(relu(Linear(x)))); dropout = identity at eval
        h = jax.nn.softmax(jax.nn.relu(inputs @ We[e] + be[e]), axis=-1)  # [N, D]
        # dense scatter-add equivalent: unrouted tokens get gate_w == 0
        out = out + h * gate_w[:, None]
    return out

if __name__ == "__main__":
    import jax
    _d = setup_inputs()
    print(jax.jit(kernel)(*tuple(_d.values())))

</pallas_src>

<mosaic_0001>
#map = affine_map<(d0, d1) -> (0, 0)>
#map1 = affine_map<(d0, d1) -> (0)>
module attributes {stable_mosaic.version = 14 : i64} {
  func.func @sc_dispatch_scatter(%arg0: i32, %arg1: i32, %arg2: memref<2048x1024xf32, #tpu.memory_space<hbm>>, %arg3: memref<2048xi32, #tpu.memory_space<hbm>>, %arg4: memref<2048xi32, #tpu.memory_space<hbm>>, %arg5: memref<8192x1024xf32, #tpu.memory_space<hbm>>, %arg6: memref<64xi32, #tpu.memory_space<vmem>>, %arg7: memref<64xi32, #tpu.memory_space<vmem>>, %arg8: memref<64x1024xf32, #tpu.memory_space<vmem>>, %arg9: memref<!tpu.dma_semaphore, #tpu.memory_space<semaphore_mem>>, %arg10: memref<!tpu.dma_semaphore, #tpu.memory_space<semaphore_mem>>) attributes {dimension_semantics = [#tpu.dimension_semantics<core_parallel>, #tpu.dimension_semantics<subcore_parallel>], iteration_bounds = array<i64: 2, 16>, scalar_prefetch = 0 : i64, scratch_operands = 5 : i64, tpu.core_type = #tpu.core_type<sc_vector_subcore>, window_params = [{transform_indices = #map}, {transform_indices = #map1}, {transform_indices = #map1}, {transform_indices = #map}]} {
    %mul3A = arith.constant 2 : i32
    %mul3A_0 = arith.muli %arg1, %mul3A : i32
    %add3A = arith.addi %mul3A_0, %arg0 : i32
    %mul3A_1 = arith.constant 64 : i32
    %mul3A_2 = arith.muli %add3A, %mul3A_1 : i32
    "tpu.region"() ({
      %run_scoped3A = tpu.sem_alloc : memref<!tpu.dma_semaphore, #tpu.memory_space<semaphore_mem>>
      %dma_start3A_13 = tpu.memref_slice %arg3[%mul3A_2] : memref<2048xi32, #tpu.memory_space<hbm>> -> memref<64xi32, #tpu.memory_space<hbm>>
      %dma_start3A_14 = tpu.memref_slice %arg3[%mul3A_2] : memref<2048xi32, #tpu.memory_space<hbm>> -> memref<64xi32, #tpu.memory_space<hbm>>
      tpu.enqueue_dma source(%dma_start3A_14 : memref<64xi32, #tpu.memory_space<hbm>>) target(%arg6 : memref<64xi32, #tpu.memory_space<vmem>>) target_semaphore(%run_scoped3A : memref<!tpu.dma_semaphore, #tpu.memory_space<semaphore_mem>>)
      %dma_wait3A_15 = tpu.memref_slice %arg3[%mul3A_2] : memref<2048xi32, #tpu.memory_space<hbm>> -> memref<64xi32, #tpu.memory_space<hbm>>
      %dma_wait3A_16 = tpu.memref_slice %arg3[%mul3A_2] : memref<2048xi32, #tpu.memory_space<hbm>> -> memref<64xi32, #tpu.memory_space<hbm>>
      tpu.wait_dma2 semaphore(%run_scoped3A : memref<!tpu.dma_semaphore, #tpu.memory_space<semaphore_mem>>) src(%dma_wait3A_16 : memref<64xi32, #tpu.memory_space<hbm>>) dst(%arg6 : memref<64xi32, #tpu.memory_space<vmem>>)
      tpu.yield
    }) : () -> ()
    "tpu.region"() ({
      %run_scoped3A = tpu.sem_alloc : memref<!tpu.dma_semaphore, #tpu.memory_space<semaphore_mem>>
      %dma_start3A_13 = tpu.memref_slice %arg4[%mul3A_2] : memref<2048xi32, #tpu.memory_space<hbm>> -> memref<64xi32, #tpu.memory_space<hbm>>
      %dma_start3A_14 = tpu.memref_slice %arg4[%mul3A_2] : memref<2048xi32, #tpu.memory_space<hbm>> -> memref<64xi32, #tpu.memory_space<hbm>>
      tpu.enqueue_dma source(%dma_start3A_14 : memref<64xi32, #tpu.memory_space<hbm>>) target(%arg7 : memref<64xi32, #tpu.memory_space<vmem>>) target_semaphore(%run_scoped3A : memref<!tpu.dma_semaphore, #tpu.memory_space<semaphore_mem>>)
      %dma_wait3A_15 = tpu.memref_slice %arg4[%mul3A_2] : memref<2048xi32, #tpu.memory_space<hbm>> -> memref<64xi32, #tpu.memory_space<hbm>>
      %dma_wait3A_16 = tpu.memref_slice %arg4[%mul3A_2] : memref<2048xi32, #tpu.memory_space<hbm>> -> memref<64xi32, #tpu.memory_space<hbm>>
      tpu.wait_dma2 semaphore(%run_scoped3A : memref<!tpu.dma_semaphore, #tpu.memory_space<semaphore_mem>>) src(%dma_wait3A_16 : memref<64xi32, #tpu.memory_space<hbm>>) dst(%arg7 : memref<64xi32, #tpu.memory_space<vmem>>)
      tpu.yield
    }) : () -> ()
    "tpu.region"() ({
      %run_scoped3A = tpu.sem_alloc : memref<!tpu.dma_semaphore, #tpu.memory_space<semaphore_mem>>
      %dma_start3A_13 = arith.constant 0 : i32
      %dma_start3A_14 = tpu.memref_slice %arg2[%mul3A_2, %dma_start3A_13] : memref<2048x1024xf32, #tpu.memory_space<hbm>> -> memref<64x1024xf32, #tpu.memory_space<hbm>>
      %dma_start3A_15 = arith.constant 0 : i32
      %dma_start3A_16 = tpu.memref_slice %arg2[%mul3A_2, %dma_start3A_15] : memref<2048x1024xf32, #tpu.memory_space<hbm>> -> memref<64x1024xf32, #tpu.memory_space<hbm>>
      tpu.enqueue_dma source(%dma_start3A_16 : memref<64x1024xf32, #tpu.memory_space<hbm>>) target(%arg8 : memref<64x1024xf32, #tpu.memory_space<vmem>>) target_semaphore(%run_scoped3A : memref<!tpu.dma_semaphore, #tpu.memory_space<semaphore_mem>>)
      %dma_wait3A_17 = arith.constant 0 : i32
      %dma_wait3A_18 = tpu.memref_slice %arg2[%mul3A_2, %dma_wait3A_17] : memref<2048x1024xf32, #tpu.memory_space<hbm>> -> memref<64x1024xf32, #tpu.memory_space<hbm>>
      %dma_wait3A_19 = arith.constant 0 : i32
      %dma_wait3A_20 = tpu.memref_slice %arg2[%mul3A_2, %dma_wait3A_19] : memref<2048x1024xf32, #tpu.memory_space<hbm>> -> memref<64x1024xf32, #tpu.memory_space<hbm>>
      tpu.wait_dma2 semaphore(%run_scoped3A : memref<!tpu.dma_semaphore, #tpu.memory_space<semaphore_mem>>) src(%dma_wait3A_20 : memref<64x1024xf32, #tpu.memory_space<hbm>>) dst(%arg8 : memref<64x1024xf32, #tpu.memory_space<vmem>>)
      tpu.yield
    }) : () -> ()
    %dma_start3A = arith.constant 0 : i32
    %dma_start3A_3 = arith.constant 0 : i32
    %dma_start3A_4 = tpu.memref_slice %arg5[%dma_start3A, %dma_start3A_3] : memref<8192x1024xf32, #tpu.memory_space<hbm>> -> memref<8192x1024xf32, #tpu.memory_space<hbm>>
    tpu.enqueue_indirect_dma source(%arg8 : memref<64x1024xf32, #tpu.memory_space<vmem>>) target(%dma_start3A_4 : memref<8192x1024xf32, #tpu.memory_space<hbm>>) offsets(%arg6 : memref<64xi32, #tpu.memory_space<vmem>>) semaphore(%arg9 : memref<!tpu.dma_semaphore, #tpu.memory_space<semaphore_mem>>)
    %dma_start3A_5 = arith.constant 0 : i32
    %dma_start3A_6 = arith.constant 0 : i32
    %dma_start3A_7 = tpu.memref_slice %arg5[%dma_start3A_5, %dma_start3A_6] : memref<8192x1024xf32, #tpu.memory_space<hbm>> -> memref<8192x1024xf32, #tpu.memory_space<hbm>>
    tpu.enqueue_indirect_dma source(%arg8 : memref<64x1024xf32, #tpu.memory_space<vmem>>) target(%dma_start3A_7 : memref<8192x1024xf32, #tpu.memory_space<hbm>>) offsets(%arg7 : memref<64xi32, #tpu.memory_space<vmem>>) semaphore(%arg10 : memref<!tpu.dma_semaphore, #tpu.memory_space<semaphore_mem>>)
    %dma_wait3A = arith.constant 0 : i32
    %dma_wait3A_8 = arith.constant 0 : i32
    %dma_wait3A_9 = tpu.memref_slice %arg5[%dma_wait3A, %dma_wait3A_8] : memref<8192x1024xf32, #tpu.memory_space<hbm>> -> memref<8192x1024xf32, #tpu.memory_space<hbm>>
    tpu.wait_indirect_dma semaphore(%arg9 : memref<!tpu.dma_semaphore, #tpu.memory_space<semaphore_mem>>) src(%arg8 : memref<64x1024xf32, #tpu.memory_space<vmem>>) dst(%dma_wait3A_9 : memref<8192x1024xf32, #tpu.memory_space<hbm>>)
    %dma_wait3A_10 = arith.constant 0 : i32
    %dma_wait3A_11 = arith.constant 0 : i32
    %dma_wait3A_12 = tpu.memref_slice %arg5[%dma_wait3A_10, %dma_wait3A_11] : memref<8192x1024xf32, #tpu.memory_space<hbm>> -> memref<8192x1024xf32, #tpu.memory_space<hbm>>
    tpu.wait_indirect_dma semaphore(%arg10 : memref<!tpu.dma_semaphore, #tpu.memory_space<semaphore_mem>>) src(%arg8 : memref<64x1024xf32, #tpu.memory_space<vmem>>) dst(%dma_wait3A_12 : memref<8192x1024xf32, #tpu.memory_space<hbm>>)
    return
  }
}

#map = affine_map<(d0, d1) -> (0, 0)>
#map1 = affine_map<(d0, d1) -> (0)>
module attributes {stable_mosaic.version = 14 : i64} {
  func.func @sc_combine(%arg0: i32, %arg1: i32, %arg2: memref<8192x1024xf32, #tpu.memory_space<hbm>>, %arg3: memref<8192x128xf32, #tpu.memory_space<hbm>>, %arg4: memref<2048xi32, #tpu.memory_space<hbm>>, %arg5: memref<2048xi32, #tpu.memory_space<hbm>>, %arg6: memref<2048xf32, #tpu.memory_space<hbm>>, %arg7: memref<2048xf32, #tpu.memory_space<hbm>>, %arg8: memref<2048x1024xf32, #tpu.memory_space<hbm>>, %arg9: memref<32xi32, #tpu.memory_space<vmem>>, %arg10: memref<32xi32, #tpu.memory_space<vmem>>, %arg11: memref<32xf32, #tpu.memory_space<vmem>>, %arg12: memref<32xf32, #tpu.memory_space<vmem>>, %arg13: memref<32x128xf32, #tpu.memory_space<vmem>>, %arg14: memref<32x128xf32, #tpu.memory_space<vmem>>, %arg15: memref<32x1024xf32, #tpu.memory_space<vmem>>, %arg16: memref<32x1024xf32, #tpu.memory_space<vmem>>, %arg17: memref<!tpu.dma_semaphore, #tpu.memory_space<semaphore_mem>>, %arg18: memref<!tpu.dma_semaphore, #tpu.memory_space<semaphore_mem>>, %arg19: memref<!tpu.dma_semaphore, #tpu.memory_space<semaphore_mem>>, %arg20: memref<!tpu.dma_semaphore, #tpu.memory_space<semaphore_mem>>) attributes {dimension_semantics = [#tpu.dimension_semantics<core_parallel>, #tpu.dimension_semantics<subcore_parallel>], iteration_bounds = array<i64: 2, 16>, scalar_prefetch = 0 : i64, scratch_operands = 12 : i64, tpu.core_type = #tpu.core_type<sc_vector_subcore>, window_params = [{transform_indices = #map}, {transform_indices = #map}, {transform_indices = #map1}, {transform_indices = #map1}, {transform_indices = #map1}, {transform_indices = #map1}, {transform_indices = #map}]} {
    %mul3A = arith.constant 2 : i32
    %mul3A_0 = arith.muli %arg1, %mul3A : i32
    %add3A = arith.addi %mul3A_0, %arg0 : i32
    %mul3A_1 = arith.constant 64 : i32
    %mul3A_2 = arith.muli %add3A, %mul3A_1 : i32
    %add3A_3 = arith.constant 0 : i32
    %add3A_4 = arith.addi %mul3A_2, %add3A_3 : i32
    "tpu.region"() ({
      %run_scoped3A = tpu.sem_alloc : memref<!tpu.dma_semaphore, #tpu.memory_space<semaphore_mem>>
      %dma_start3A_62 = tpu.memref_slice %arg4[%add3A_4] : memref<2048xi32, #tpu.memory_space<hbm>> -> memref<32xi32, #tpu.memory_space<hbm>>
      %dma_start3A_63 = tpu.memref_slice %arg4[%add3A_4] : memref<2048xi32, #tpu.memory_space<hbm>> -> memref<32xi32, #tpu.memory_space<hbm>>
      tpu.enqueue_dma source(%dma_start3A_63 : memref<32xi32, #tpu.memory_space<hbm>>) target(%arg9 : memref<32xi32, #tpu.memory_space<vmem>>) target_semaphore(%run_scoped3A : memref<!tpu.dma_semaphore, #tpu.memory_space<semaphore_mem>>)
      %dma_wait3A_64 = tpu.memref_slice %arg4[%add3A_4] : memref<2048xi32, #tpu.memory_space<hbm>> -> memref<32xi32, #tpu.memory_space<hbm>>
      %dma_wait3A_65 = tpu.memref_slice %arg4[%add3A_4] : memref<2048xi32, #tpu.memory_space<hbm>> -> memref<32xi32, #tpu.memory_space<hbm>>
      tpu.wait_dma2 semaphore(%run_scoped3A : memref<!tpu.dma_semaphore, #tpu.memory_space<semaphore_mem>>) src(%dma_wait3A_65 : memref<32xi32, #tpu.memory_space<hbm>>) dst(%arg9 : memref<32xi32, #tpu.memory_space<vmem>>)
      tpu.yield
    }) : () -> ()
    "tpu.region"() ({
      %run_scoped3A = tpu.sem_alloc : memref<!tpu.dma_semaphore, #tpu.memory_space<semaphore_mem>>
      %dma_start3A_62 = tpu.memref_slice %arg5[%add3A_4] : memref<2048xi32, #tpu.memory_space<hbm>> -> memref<32xi32, #tpu.memory_space<hbm>>
      %dma_start3A_63 = tpu.memref_slice %arg5[%add3A_4] : memref<2048xi32, #tpu.memory_space<hbm>> -> memref<32xi32, #tpu.memory_space<hbm>>
      tpu.enqueue_dma source(%dma_start3A_63 : memref<32xi32, #tpu.memory_space<hbm>>) target(%arg10 : memref<32xi32, #tpu.memory_space<vmem>>) target_semaphore(%run_scoped3A : memref<!tpu.dma_semaphore, #tpu.memory_space<semaphore_mem>>)
      %dma_wait3A_64 = tpu.memref_slice %arg5[%add3A_4] : memref<2048xi32, #tpu.memory_space<hbm>> -> memref<32xi32, #tpu.memory_space<hbm>>
      %dma_wait3A_65 = tpu.memref_slice %arg5[%add3A_4] : memref<2048xi32, #tpu.memory_space<hbm>> -> memref<32xi32, #tpu.memory_space<hbm>>
      tpu.wait_dma2 semaphore(%run_scoped3A : memref<!tpu.dma_semaphore, #tpu.memory_space<semaphore_mem>>) src(%dma_wait3A_65 : memref<32xi32, #tpu.memory_space<hbm>>) dst(%arg10 : memref<32xi32, #tpu.memory_space<vmem>>)
      tpu.yield
    }) : () -> ()
    "tpu.region"() ({
      %run_scoped3A = tpu.sem_alloc : memref<!tpu.dma_semaphore, #tpu.memory_space<semaphore_mem>>
      %dma_start3A_62 = tpu.memref_slice %arg6[%add3A_4] : memref<2048xf32, #tpu.memory_space<hbm>> -> memref<32xf32, #tpu.memory_space<hbm>>
      %dma_start3A_63 = tpu.memref_slice %arg6[%add3A_4] : memref<2048xf32, #tpu.memory_space<hbm>> -> memref<32xf32, #tpu.memory_space<hbm>>
      tpu.enqueue_dma source(%dma_start3A_63 : memref<32xf32, #tpu.memory_space<hbm>>) target(%arg11 : memref<32xf32, #tpu.memory_space<vmem>>) target_semaphore(%run_scoped3A : memref<!tpu.dma_semaphore, #tpu.memory_space<semaphore_mem>>)
      %dma_wait3A_64 = tpu.memref_slice %arg6[%add3A_4] : memref<2048xf32, #tpu.memory_space<hbm>> -> memref<32xf32, #tpu.memory_space<hbm>>
      %dma_wait3A_65 = tpu.memref_slice %arg6[%add3A_4] : memref<2048xf32, #tpu.memory_space<hbm>> -> memref<32xf32, #tpu.memory_space<hbm>>
      tpu.wait_dma2 semaphore(%run_scoped3A : memref<!tpu.dma_semaphore, #tpu.memory_space<semaphore_mem>>) src(%dma_wait3A_65 : memref<32xf32, #tpu.memory_space<hbm>>) dst(%arg11 : memref<32xf32, #tpu.memory_space<vmem>>)
      tpu.yield
    }) : () -> ()
    "tpu.region"() ({
      %run_scoped3A = tpu.sem_alloc : memref<!tpu.dma_semaphore, #tpu.memory_space<semaphore_mem>>
      %dma_start3A_62 = tpu.memref_slice %arg7[%add3A_4] : memref<2048xf32, #tpu.memory_space<hbm>> -> memref<32xf32, #tpu.memory_space<hbm>>
      %dma_start3A_63 = tpu.memref_slice %arg7[%add3A_4] : memref<2048xf32, #tpu.memory_space<hbm>> -> memref<32xf32, #tpu.memory_space<hbm>>
      tpu.enqueue_dma source(%dma_start3A_63 : memref<32xf32, #tpu.memory_space<hbm>>) target(%arg12 : memref<32xf32, #tpu.memory_space<vmem>>) target_semaphore(%run_scoped3A : memref<!tpu.dma_semaphore, #tpu.memory_space<semaphore_mem>>)
      %dma_wait3A_64 = tpu.memref_slice %arg7[%add3A_4] : memref<2048xf32, #tpu.memory_space<hbm>> -> memref<32xf32, #tpu.memory_space<hbm>>
      %dma_wait3A_65 = tpu.memref_slice %arg7[%add3A_4] : memref<2048xf32, #tpu.memory_space<hbm>> -> memref<32xf32, #tpu.memory_space<hbm>>
      tpu.wait_dma2 semaphore(%run_scoped3A : memref<!tpu.dma_semaphore, #tpu.memory_space<semaphore_mem>>) src(%dma_wait3A_65 : memref<32xf32, #tpu.memory_space<hbm>>) dst(%arg12 : memref<32xf32, #tpu.memory_space<vmem>>)
      tpu.yield
    }) : () -> ()
    %dma_start3A = arith.constant 0 : i32
    %dma_start3A_5 = arith.constant 0 : i32
    %dma_start3A_6 = tpu.memref_slice %arg2[%dma_start3A, %dma_start3A_5] : memref<8192x1024xf32, #tpu.memory_space<hbm>> -> memref<8192x1024xf32, #tpu.memory_space<hbm>>
    tpu.enqueue_indirect_dma source(%dma_start3A_6 : memref<8192x1024xf32, #tpu.memory_space<hbm>>) target(%arg15 : memref<32x1024xf32, #tpu.memory_space<vmem>>) offsets(%arg9 : memref<32xi32, #tpu.memory_space<vmem>>) semaphore(%arg17 : memref<!tpu.dma_semaphore, #tpu.memory_space<semaphore_mem>>)
    %dma_start3A_7 = arith.constant 0 : i32
    %dma_start3A_8 = arith.constant 0 : i32
    %dma_start3A_9 = tpu.memref_slice %arg2[%dma_start3A_7, %dma_start3A_8] : memref<8192x1024xf32, #tpu.memory_space<hbm>> -> memref<8192x1024xf32, #tpu.memory_space<hbm>>
    tpu.enqueue_indirect_dma source(%dma_start3A_9 : memref<8192x1024xf32, #tpu.memory_space<hbm>>) target(%arg16 : memref<32x1024xf32, #tpu.memory_space<vmem>>) offsets(%arg10 : memref<32xi32, #tpu.memory_space<vmem>>) semaphore(%arg18 : memref<!tpu.dma_semaphore, #tpu.memory_space<semaphore_mem>>)
    %dma_start3A_10 = arith.constant 0 : i32
    %dma_start3A_11 = arith.constant 0 : i32
    %dma_start3A_12 = tpu.memref_slice %arg3[%dma_start3A_10, %dma_start3A_11] : memref<8192x128xf32, #tpu.memory_space<hbm>> -> memref<8192x128xf32, #tpu.memory_space<hbm>>
    tpu.enqueue_indirect_dma source(%dma_start3A_12 : memref<8192x128xf32, #tpu.memory_space<hbm>>) target(%arg13 : memref<32x128xf32, #tpu.memory_space<vmem>>) offsets(%arg9 : memref<32xi32, #tpu.memory_space<vmem>>) semaphore(%arg19 : memref<!tpu.dma_semaphore, #tpu.memory_space<semaphore_mem>>)
    %dma_start3A_13 = arith.constant 0 : i32
    %dma_start3A_14 = arith.constant 0 : i32
    %dma_start3A_15 = tpu.memref_slice %arg3[%dma_start3A_13, %dma_start3A_14] : memref<8192x128xf32, #tpu.memory_space<hbm>> -> memref<8192x128xf32, #tpu.memory_space<hbm>>
    tpu.enqueue_indirect_dma source(%dma_start3A_15 : memref<8192x128xf32, #tpu.memory_space<hbm>>) target(%arg14 : memref<32x128xf32, #tpu.memory_space<vmem>>) offsets(%arg10 : memref<32xi32, #tpu.memory_space<vmem>>) semaphore(%arg20 : memref<!tpu.dma_semaphore, #tpu.memory_space<semaphore_mem>>)
    %dma_wait3A = arith.constant 0 : i32
    %dma_wait3A_16 = arith.constant 0 : i32
    %dma_wait3A_17 = tpu.memref_slice %arg3[%dma_wait3A, %dma_wait3A_16] : memref<8192x128xf32, #tpu.memory_space<hbm>> -> memref<8192x128xf32, #tpu.memory_space<hbm>>
    tpu.wait_indirect_dma semaphore(%arg19 : memref<!tpu.dma_semaphore, #tpu.memory_space<semaphore_mem>>) src(%dma_wait3A_17 : memref<8192x128xf32, #tpu.memory_space<hbm>>) dst(%arg13 : memref<32x128xf32, #tpu.memory_space<vmem>>)
    %dma_wait3A_18 = arith.constant 0 : i32
    %dma_wait3A_19 = arith.constant 0 : i32
    %dma_wait3A_20 = tpu.memref_slice %arg3[%dma_wait3A_18, %dma_wait3A_19] : memref<8192x128xf32, #tpu.memory_space<hbm>> -> memref<8192x128xf32, #tpu.memory_space<hbm>>
    tpu.wait_indirect_dma semaphore(%arg20 : memref<!tpu.dma_semaphore, #tpu.memory_space<semaphore_mem>>) src(%dma_wait3A_20 : memref<8192x128xf32, #tpu.memory_space<hbm>>) dst(%arg14 : memref<32x128xf32, #tpu.memory_space<vmem>>)
    %dma_wait3A_21 = arith.constant 0 : i32
    %dma_wait3A_22 = arith.constant 0 : i32
    %dma_wait3A_23 = tpu.memref_slice %arg2[%dma_wait3A_21, %dma_wait3A_22] : memref<8192x1024xf32, #tpu.memory_space<hbm>> -> memref<8192x1024xf32, #tpu.memory_space<hbm>>
    tpu.wait_indirect_dma semaphore(%arg17 : memref<!tpu.dma_semaphore, #tpu.memory_space<semaphore_mem>>) src(%dma_wait3A_23 : memref<8192x1024xf32, #tpu.memory_space<hbm>>) dst(%arg15 : memref<32x1024xf32, #tpu.memory_space<vmem>>)
    %dma_wait3A_24 = arith.constant 0 : i32
    %dma_wait3A_25 = arith.constant 0 : i32
    %dma_wait3A_26 = tpu.memref_slice %arg2[%dma_wait3A_24, %dma_wait3A_25] : memref<8192x1024xf32, #tpu.memory_space<hbm>> -> memref<8192x1024xf32, #tpu.memory_space<hbm>>
    tpu.wait_indirect_dma semaphore(%arg18 : memref<!tpu.dma_semaphore, #tpu.memory_space<semaphore_mem>>) src(%dma_wait3A_26 : memref<8192x1024xf32, #tpu.memory_space<hbm>>) dst(%arg16 : memref<32x1024xf32, #tpu.memory_space<vmem>>)
    %scan3A = arith.constant 0 : i32
    %scan3A_27 = arith.constant 32 : i32
    %scan3A_28 = arith.addi %scan3A, %scan3A_27 : i32
    %scan3A_29 = arith.constant 1 : i32
    scf.for %scan3A_62 = %scan3A to %scan3A_28 step %scan3A_29  : i32 {
      %mul3A_63 = arith.constant 1 : i32
      %mul3A_64 = arith.muli %scan3A_62, %mul3A_63 : i32
      %add3A_65 = arith.constant 0 : i32
      %add3A_66 = arith.addi %add3A_65, %mul3A_64 : i32
      %broadcast_in_dim3A = arith.constant 0 : i32
      %broadcast_in_dim3A_67 = vector.broadcast %broadcast_in_dim3A : i32 to vector<16xi32>
      %add3A_68 = vector.broadcast %add3A_66 : i32 to vector<16xi32>
      %add3A_69 = arith.addi %broadcast_in_dim3A_67, %add3A_68 : vector<16xi32>
      %gather3A = tpu.vector_load_idx %arg11[%add3A_69] : memref<32xf32, #tpu.memory_space<vmem>>[vector<16xi32>], vector<16xf32>,
      %get3A = arith.index_cast %add3A_66 : i32 to index
      %get3A_70 = arith.constant 0 : index
      %get3A_71 = tpu.vector_load %arg13[%get3A, %get3A_70] {strides = array<i32>} : memref<32x128xf32, #tpu.memory_space<vmem>>, vector<16xf32>,
      %mul3A_72 = arith.mulf %gather3A, %get3A_71 : vector<16xf32>
      %gather3A_73 = tpu.vector_load_idx %arg12[%add3A_69] : memref<32xf32, #tpu.memory_space<vmem>>[vector<16xi32>], vector<16xf32>,
      %get3A_74 = arith.index_cast %add3A_66 : i32 to index
      %get3A_75 = arith.constant 0 : index
      %get3A_76 = tpu.vector_load %arg14[%get3A_74, %get3A_75] {strides = array<i32>} : memref<32x128xf32, #tpu.memory_space<vmem>>, vector<16xf32>,
      %mul3A_77 = arith.mulf %gather3A_73, %get3A_76 : vector<16xf32>
      %scan3A_78 = arith.constant 0 : i32
      %scan3A_79 = arith.constant 8 : i32
      %scan3A_80 = arith.addi %scan3A_78, %scan3A_79 : i32
      %scan3A_81 = arith.constant 1 : i32
      scf.for %scan3A_83 = %scan3A_78 to %scan3A_80 step %scan3A_81  : i32 {
        %mul3A_84 = arith.constant 128 : i32
        %mul3A_85 = arith.muli %scan3A_83, %mul3A_84 : i32
        %add3A_86 = arith.constant 0 : i32
        %add3A_87 = arith.addi %add3A_86, %mul3A_85 : i32
        %add3A_88 = arith.constant 0 : i32
        %add3A_89 = arith.addi %add3A_87, %add3A_88 : i32
        %get3A_90 = arith.index_cast %add3A_66 : i32 to index
        %get3A_91 = arith.index_cast %add3A_89 : i32 to index
        %get3A_92 = tpu.vector_load %arg15[%get3A_90, %get3A_91] {strides = array<i32>} : memref<32x1024xf32, #tpu.memory_space<vmem>>, vector<16xf32>,
        %mul3A_93 = arith.mulf %get3A_92, %mul3A_72 : vector<16xf32>
        %get3A_94 = arith.index_cast %add3A_66 : i32 to index
        %get3A_95 = arith.index_cast %add3A_89 : i32 to index
        %get3A_96 = tpu.vector_load %arg16[%get3A_94, %get3A_95] {strides = array<i32>} : memref<32x1024xf32, #tpu.memory_space<vmem>>, vector<16xf32>,
        %mul3A_97 = arith.mulf %get3A_96, %mul3A_77 : vector<16xf32>
        %add3A_98 = arith.addf %mul3A_93, %mul3A_97 : vector<16xf32>
        %swap3A = arith.index_cast %add3A_66 : i32 to index
        %swap3A_99 = arith.index_cast %add3A_89 : i32 to index
        %swap3A_100 = tpu.vector_load %arg15[%swap3A, %swap3A_99] {strides = array<i32>} : memref<32x1024xf32, #tpu.memory_space<vmem>>, vector<16xf32>,
        tpu.vector_store %arg15[%swap3A, %swap3A_99], %add3A_98 {strides = array<i32>} : memref<32x1024xf32, #tpu.memory_space<vmem>>, vector<16xf32>,
        %add3A_101 = arith.constant 16 : i32
        %add3A_102 = arith.addi %add3A_87, %add3A_101 : i32
        %get3A_103 = arith.index_cast %add3A_66 : i32 to index
        %get3A_104 = arith.index_cast %add3A_102 : i32 to index
        %get3A_105 = tpu.vector_load %arg15[%get3A_103, %get3A_104] {strides = array<i32>} : memref<32x1024xf32, #tpu.memory_space<vmem>>, vector<16xf32>,
        %mul3A_106 = arith.mulf %get3A_105, %mul3A_72 : vector<16xf32>
        %get3A_107 = arith.index_cast %add3A_66 : i32 to index
        %get3A_108 = arith.index_cast %add3A_102 : i32 to index
        %get3A_109 = tpu.vector_load %arg16[%get3A_107, %get3A_108] {strides = array<i32>} : memref<32x1024xf32, #tpu.memory_space<vmem>>, vector<16xf32>,
        %mul3A_110 = arith.mulf %get3A_109, %mul3A_77 : vector<16xf32>
        %add3A_111 = arith.addf %mul3A_106, %mul3A_110 : vector<16xf32>
        %swap3A_112 = arith.index_cast %add3A_66 : i32 to index
        %swap3A_113 = arith.index_cast %add3A_102 : i32 to index
        %swap3A_114 = tpu.vector_load %arg15[%swap3A_112, %swap3A_113] {strides = array<i32>} : memref<32x1024xf32, #tpu.memory_space<vmem>>, vector<16xf32>,
        tpu.vector_store %arg15[%swap3A_112, %swap3A_113], %add3A_111 {strides = array<i32>} : memref<32x1024xf32, #tpu.memory_space<vmem>>, vector<16xf32>,
        %add3A_115 = arith.constant 32 : i32
        %add3A_116 = arith.addi %add3A_87, %add3A_115 : i32
        %get3A_117 = arith.index_cast %add3A_66 : i32 to index
        %get3A_118 = arith.index_cast %add3A_116 : i32 to index
        %get3A_119 = tpu.vector_load %arg15[%get3A_117, %get3A_118] {strides = array<i32>} : memref<32x1024xf32, #tpu.memory_space<vmem>>, vector<16xf32>,
        %mul3A_120 = arith.mulf %get3A_119, %mul3A_72 : vector<16xf32>
        %get3A_121 = arith.index_cast %add3A_66 : i32 to index
        %get3A_122 = arith.index_cast %add3A_116 : i32 to index
        %get3A_123 = tpu.vector_load %arg16[%get3A_121, %get3A_122] {strides = array<i32>} : memref<32x1024xf32, #tpu.memory_space<vmem>>, vector<16xf32>,
        %mul3A_124 = arith.mulf %get3A_123, %mul3A_77 : vector<16xf32>
        %add3A_125 = arith.addf %mul3A_120, %mul3A_124 : vector<16xf32>
        %swap3A_126 = arith.index_cast %add3A_66 : i32 to index
        %swap3A_127 = arith.index_cast %add3A_116 : i32 to index
        %swap3A_128 = tpu.vector_load %arg15[%swap3A_126, %swap3A_127] {strides = array<i32>} : memref<32x1024xf32, #tpu.memory_space<vmem>>, vector<16xf32>,
        tpu.vector_store %arg15[%swap3A_126, %swap3A_127], %add3A_125 {strides = array<i32>} : memref<32x1024xf32, #tpu.memory_space<vmem>>, vector<16xf32>,
        %add3A_129 = arith.constant 48 : i32
        %add3A_130 = arith.addi %add3A_87, %add3A_129 : i32
        %get3A_131 = arith.index_cast %add3A_66 : i32 to index
        %get3A_132 = arith.index_cast %add3A_130 : i32 to index
        %get3A_133 = tpu.vector_load %arg15[%get3A_131, %get3A_132] {strides = array<i32>} : memref<32x1024xf32, #tpu.memory_space<vmem>>, vector<16xf32>,
        %mul3A_134 = arith.mulf %get3A_133, %mul3A_72 : vector<16xf32>
        %get3A_135 = arith.index_cast %add3A_66 : i32 to index
        %get3A_136 = arith.index_cast %add3A_130 : i32 to index
        %get3A_137 = tpu.vector_load %arg16[%get3A_135, %get3A_136] {strides = array<i32>} : memref<32x1024xf32, #tpu.memory_space<vmem>>, vector<16xf32>,
        %mul3A_138 = arith.mulf %get3A_137, %mul3A_77 : vector<16xf32>
        %add3A_139 = arith.addf %mul3A_134, %mul3A_138 : vector<16xf32>
        %swap3A_140 = arith.index_cast %add3A_66 : i32 to index
        %swap3A_141 = arith.index_cast %add3A_130 : i32 to index
        %swap3A_142 = tpu.vector_load %arg15[%swap3A_140, %swap3A_141] {strides = array<i32>} : memref<32x1024xf32, #tpu.memory_space<vmem>>, vector<16xf32>,
        tpu.vector_store %arg15[%swap3A_140, %swap3A_141], %add3A_139 {strides = array<i32>} : memref<32x1024xf32, #tpu.memory_space<vmem>>, vector<16xf32>,
        %add3A_143 = arith.constant 64 : i32
        %add3A_144 = arith.addi %add3A_87, %add3A_143 : i32
        %get3A_145 = arith.index_cast %add3A_66 : i32 to index
        %get3A_146 = arith.index_cast %add3A_144 : i32 to index
        %get3A_147 = tpu.vector_load %arg15[%get3A_145, %get3A_146] {strides = array<i32>} : memref<32x1024xf32, #tpu.memory_space<vmem>>, vector<16xf32>,
        %mul3A_148 = arith.mulf %get3A_147, %mul3A_72 : vector<16xf32>
        %get3A_149 = arith.index_cast %add3A_66 : i32 to index
        %get3A_150 = arith.index_cast %add3A_144 : i32 to index
        %get3A_151 = tpu.vector_load %arg16[%get3A_149, %get3A_150] {strides = array<i32>} : memref<32x1024xf32, #tpu.memory_space<vmem>>, vector<16xf32>,
        %mul3A_152 = arith.mulf %get3A_151, %mul3A_77 : vector<16xf32>
        %add3A_153 = arith.addf %mul3A_148, %mul3A_152 : vector<16xf32>
        %swap3A_154 = arith.index_cast %add3A_66 : i32 to index
        %swap3A_155 = arith.index_cast %add3A_144 : i32 to index
        %swap3A_156 = tpu.vector_load %arg15[%swap3A_154, %swap3A_155] {strides = array<i32>} : memref<32x1024xf32, #tpu.memory_space<vmem>>, vector<16xf32>,
        tpu.vector_store %arg15[%swap3A_154, %swap3A_155], %add3A_153 {strides = array<i32>} : memref<32x1024xf32, #tpu.memory_space<vmem>>, vector<16xf32>,
        %add3A_157 = arith.constant 80 : i32
        %add3A_158 = arith.addi %add3A_87, %add3A_157 : i32
        %get3A_159 = arith.index_cast %add3A_66 : i32 to index
        %get3A_160 = arith.index_cast %add3A_158 : i32 to index
        %get3A_161 = tpu.vector_load %arg15[%get3A_159, %get3A_160] {strides = array<i32>} : memref<32x1024xf32, #tpu.memory_space<vmem>>, vector<16xf32>,
        %mul3A_162 = arith.mulf %get3A_161, %mul3A_72 : vector<16xf32>
        %get3A_163 = arith.index_cast %add3A_66 : i32 to index
        %get3A_164 = arith.index_cast %add3A_158 : i32 to index
        %get3A_165 = tpu.vector_load %arg16[%get3A_163, %get3A_164] {strides = array<i32>} : memref<32x1024xf32, #tpu.memory_space<vmem>>, vector<16xf32>,
        %mul3A_166 = arith.mulf %get3A_165, %mul3A_77 : vector<16xf32>
        %add3A_167 = arith.addf %mul3A_162, %mul3A_166 : vector<16xf32>
        %swap3A_168 = arith.index_cast %add3A_66 : i32 to index
        %swap3A_169 = arith.index_cast %add3A_158 : i32 to index
        %swap3A_170 = tpu.vector_load %arg15[%swap3A_168, %swap3A_169] {strides = array<i32>} : memref<32x1024xf32, #tpu.memory_space<vmem>>, vector<16xf32>,
        tpu.vector_store %arg15[%swap3A_168, %swap3A_169], %add3A_167 {strides = array<i32>} : memref<32x1024xf32, #tpu.memory_space<vmem>>, vector<16xf32>,
        %add3A_171 = arith.constant 96 : i32
        %add3A_172 = arith.addi %add3A_87, %add3A_171 : i32
        %get3A_173 = arith.index_cast %add3A_66 : i32 to index
        %get3A_174 = arith.index_cast %add3A_172 : i32 to index
        %get3A_175 = tpu.vector_load %arg15[%get3A_173, %get3A_174] {strides = array<i32>} : memref<32x1024xf32, #tpu.memory_space<vmem>>, vector<16xf32>,
        %mul3A_176 = arith.mulf %get3A_175, %mul3A_72 : vector<16xf32>
        %get3A_177 = arith.index_cast %add3A_66 : i32 to index
        %get3A_178 = arith.index_cast %add3A_172 : i32 to index
        %get3A_179 = tpu.vector_load %arg16[%get3A_177, %get3A_178] {strides = array<i32>} : memref<32x1024xf32, #tpu.memory_space<vmem>>, vector<16xf32>,
        %mul3A_180 = arith.mulf %get3A_179, %mul3A_77 : vector<16xf32>
        %add3A_181 = arith.addf %mul3A_176, %mul3A_180 : vector<16xf32>
        %swap3A_182 = arith.index_cast %add3A_66 : i32 to index
        %swap3A_183 = arith.index_cast %add3A_172 : i32 to index
        %swap3A_184 = tpu.vector_load %arg15[%swap3A_182, %swap3A_183] {strides = array<i32>} : memref<32x1024xf32, #tpu.memory_space<vmem>>, vector<16xf32>,
        tpu.vector_store %arg15[%swap3A_182, %swap3A_183], %add3A_181 {strides = array<i32>} : memref<32x1024xf32, #tpu.memory_space<vmem>>, vector<16xf32>,
        %add3A_185 = arith.constant 112 : i32
        %add3A_186 = arith.addi %add3A_87, %add3A_185 : i32
        %get3A_187 = arith.index_cast %add3A_66 : i32 to index
        %get3A_188 = arith.index_cast %add3A_186 : i32 to index
        %get3A_189 = tpu.vector_load %arg15[%get3A_187, %get3A_188] {strides = array<i32>} : memref<32x1024xf32, #tpu.memory_space<vmem>>, vector<16xf32>,
        %mul3A_190 = arith.mulf %get3A_189, %mul3A_72 : vector<16xf32>
        %get3A_191 = arith.index_cast %add3A_66 : i32 to index
        %get3A_192 = arith.index_cast %add3A_186 : i32 to index
        %get3A_193 = tpu.vector_load %arg16[%get3A_191, %get3A_192] {strides = array<i32>} : memref<32x1024xf32, #tpu.memory_space<vmem>>, vector<16xf32>,
        %mul3A_194 = arith.mulf %get3A_193, %mul3A_77 : vector<16xf32>
        %add3A_195 = arith.addf %mul3A_190, %mul3A_194 : vector<16xf32>
        %swap3A_196 = arith.index_cast %add3A_66 : i32 to index
        %swap3A_197 = arith.index_cast %add3A_186 : i32 to index
        %swap3A_198 = tpu.vector_load %arg15[%swap3A_196, %swap3A_197] {strides = array<i32>} : memref<32x1024xf32, #tpu.memory_space<vmem>>, vector<16xf32>,
        tpu.vector_store %arg15[%swap3A_196, %swap3A_197], %add3A_195 {strides = array<i32>} : memref<32x1024xf32, #tpu.memory_space<vmem>>, vector<16xf32>,
      }
      %scan3A_82 = arith.constant 8 : i32
    }
    %scan3A_30 = arith.constant 32 : i32
    "tpu.region"() ({
      %run_scoped3A = tpu.sem_alloc : memref<!tpu.dma_semaphore, #tpu.memory_space<semaphore_mem>>
      %dma_start3A_62 = arith.constant 0 : i32
      %dma_start3A_63 = tpu.memref_slice %arg8[%add3A_4, %dma_start3A_62] : memref<2048x1024xf32, #tpu.memory_space<hbm>> -> memref<32x1024xf32, #tpu.memory_space<hbm>>
      %dma_start3A_64 = arith.constant 0 : i32
      %dma_start3A_65 = tpu.memref_slice %arg8[%add3A_4, %dma_start3A_64] : memref<2048x1024xf32, #tpu.memory_space<hbm>> -> memref<32x1024xf32, #tpu.memory_space<hbm>>
      tpu.enqueue_dma source(%arg15 : memref<32x1024xf32, #tpu.memory_space<vmem>>) target(%dma_start3A_65 : memref<32x1024xf32, #tpu.memory_space<hbm>>) target_semaphore(%run_scoped3A : memref<!tpu.dma_semaphore, #tpu.memory_space<semaphore_mem>>)
      %dma_wait3A_66 = arith.constant 0 : i32
      %dma_wait3A_67 = tpu.memref_slice %arg8[%add3A_4, %dma_wait3A_66] : memref<2048x1024xf32, #tpu.memory_space<hbm>> -> memref<32x1024xf32, #tpu.memory_space<hbm>>
      %dma_wait3A_68 = arith.constant 0 : i32
      %dma_wait3A_69 = tpu.memref_slice %arg8[%add3A_4, %dma_wait3A_68] : memref<2048x1024xf32, #tpu.memory_space<hbm>> -> memref<32x1024xf32, #tpu.memory_space<hbm>>
      tpu.wait_dma2 semaphore(%run_scoped3A : memref<!tpu.dma_semaphore, #tpu.memory_space<semaphore_mem>>) src(%arg15 : memref<32x1024xf32, #tpu.memory_space<vmem>>) dst(%dma_wait3A_69 : memref<32x1024xf32, #tpu.memory_space<hbm>>)
      tpu.yield
    }) : () -> ()
    %add3A_31 = arith.constant 32 : i32
    %add3A_32 = arith.addi %mul3A_2, %add3A_31 : i32
    "tpu.region"() ({
      %run_scoped3A = tpu.sem_alloc : memref<!tpu.dma_semaphore, #tpu.memory_space<semaphore_mem>>
      %dma_start3A_62 = tpu.memref_slice %arg4[%add3A_32] : memref<2048xi32, #tpu.memory_space<hbm>> -> memref<32xi32, #tpu.memory_space<hbm>>
      %dma_start3A_63 = tpu.memref_slice %arg4[%add3A_32] : memref<2048xi32, #tpu.memory_space<hbm>> -> memref<32xi32, #tpu.memory_space<hbm>>
      tpu.enqueue_dma source(%dma_start3A_63 : memref<32xi32, #tpu.memory_space<hbm>>) target(%arg9 : memref<32xi32, #tpu.memory_space<vmem>>) target_semaphore(%run_scoped3A : memref<!tpu.dma_semaphore, #tpu.memory_space<semaphore_mem>>)
      %dma_wait3A_64 = tpu.memref_slice %arg4[%add3A_32] : memref<2048xi32, #tpu.memory_space<hbm>> -> memref<32xi32, #tpu.memory_space<hbm>>
      %dma_wait3A_65 = tpu.memref_slice %arg4[%add3A_32] : memref<2048xi32, #tpu.memory_space<hbm>> -> memref<32xi32, #tpu.memory_space<hbm>>
      tpu.wait_dma2 semaphore(%run_scoped3A : memref<!tpu.dma_semaphore, #tpu.memory_space<semaphore_mem>>) src(%dma_wait3A_65 : memref<32xi32, #tpu.memory_space<hbm>>) dst(%arg9 : memref<32xi32, #tpu.memory_space<vmem>>)
      tpu.yield
    }) : () -> ()
    "tpu.region"() ({
      %run_scoped3A = tpu.sem_alloc : memref<!tpu.dma_semaphore, #tpu.memory_space<semaphore_mem>>
      %dma_start3A_62 = tpu.memref_slice %arg5[%add3A_32] : memref<2048xi32, #tpu.memory_space<hbm>> -> memref<32xi32, #tpu.memory_space<hbm>>
      %dma_start3A_63 = tpu.memref_slice %arg5[%add3A_32] : memref<2048xi32, #tpu.memory_space<hbm>> -> memref<32xi32, #tpu.memory_space<hbm>>
      tpu.enqueue_dma source(%dma_start3A_63 : memref<32xi32, #tpu.memory_space<hbm>>) target(%arg10 : memref<32xi32, #tpu.memory_space<vmem>>) target_semaphore(%run_scoped3A : memref<!tpu.dma_semaphore, #tpu.memory_space<semaphore_mem>>)
      %dma_wait3A_64 = tpu.memref_slice %arg5[%add3A_32] : memref<2048xi32, #tpu.memory_space<hbm>> -> memref<32xi32, #tpu.memory_space<hbm>>
      %dma_wait3A_65 = tpu.memref_slice %arg5[%add3A_32] : memref<2048xi32, #tpu.memory_space<hbm>> -> memref<32xi32, #tpu.memory_space<hbm>>
      tpu.wait_dma2 semaphore(%run_scoped3A : memref<!tpu.dma_semaphore, #tpu.memory_space<semaphore_mem>>) src(%dma_wait3A_65 : memref<32xi32, #tpu.memory_space<hbm>>) dst(%arg10 : memref<32xi32, #tpu.memory_space<vmem>>)
      tpu.yield
    }) : () -> ()
    "tpu.region"() ({
      %run_scoped3A = tpu.sem_alloc : memref<!tpu.dma_semaphore, #tpu.memory_space<semaphore_mem>>
      %dma_start3A_62 = tpu.memref_slice %arg6[%add3A_32] : memref<2048xf32, #tpu.memory_space<hbm>> -> memref<32xf32, #tpu.memory_space<hbm>>
      %dma_start3A_63 = tpu.memref_slice %arg6[%add3A_32] : memref<2048xf32, #tpu.memory_space<hbm>> -> memref<32xf32, #tpu.memory_space<hbm>>
      tpu.enqueue_dma source(%dma_start3A_63 : memref<32xf32, #tpu.memory_space<hbm>>) target(%arg11 : memref<32xf32, #tpu.memory_space<vmem>>) target_semaphore(%run_scoped3A : memref<!tpu.dma_semaphore, #tpu.memory_space<semaphore_mem>>)
      %dma_wait3A_64 = tpu.memref_slice %arg6[%add3A_32] : memref<2048xf32, #tpu.memory_space<hbm>> -> memref<32xf32, #tpu.memory_space<hbm>>
      %dma_wait3A_65 = tpu.memref_slice %arg6[%add3A_32] : memref<2048xf32, #tpu.memory_space<hbm>> -> memref<32xf32, #tpu.memory_space<hbm>>
      tpu.wait_dma2 semaphore(%run_scoped3A : memref<!tpu.dma_semaphore, #tpu.memory_space<semaphore_mem>>) src(%dma_wait3A_65 : memref<32xf32, #tpu.memory_space<hbm>>) dst(%arg11 : memref<32xf32, #tpu.memory_space<vmem>>)
      tpu.yield
    }) : () -> ()
    "tpu.region"() ({
      %run_scoped3A = tpu.sem_alloc : memref<!tpu.dma_semaphore, #tpu.memory_space<semaphore_mem>>
      %dma_start3A_62 = tpu.memref_slice %arg7[%add3A_32] : memref<2048xf32, #tpu.memory_space<hbm>> -> memref<32xf32, #tpu.memory_space<hbm>>
      %dma_start3A_63 = tpu.memref_slice %arg7[%add3A_32] : memref<2048xf32, #tpu.memory_space<hbm>> -> memref<32xf32, #tpu.memory_space<hbm>>
      tpu.enqueue_dma source(%dma_start3A_63 : memref<32xf32, #tpu.memory_space<hbm>>) target(%arg12 : memref<32xf32, #tpu.memory_space<vmem>>) target_semaphore(%run_scoped3A : memref<!tpu.dma_semaphore, #tpu.memory_space<semaphore_mem>>)
      %dma_wait3A_64 = tpu.memref_slice %arg7[%add3A_32] : memref<2048xf32, #tpu.memory_space<hbm>> -> memref<32xf32, #tpu.memory_space<hbm>>
      %dma_wait3A_65 = tpu.memref_slice %arg7[%add3A_32] : memref<2048xf32, #tpu.memory_space<hbm>> -> memref<32xf32, #tpu.memory_space<hbm>>
      tpu.wait_dma2 semaphore(%run_scoped3A : memref<!tpu.dma_semaphore, #tpu.memory_space<semaphore_mem>>) src(%dma_wait3A_65 : memref<32xf32, #tpu.memory_space<hbm>>) dst(%arg12 : memref<32xf32, #tpu.memory_space<vmem>>)
      tpu.yield
    }) : () -> ()
    %dma_start3A_33 = arith.constant 0 : i32
    %dma_start3A_34 = arith.constant 0 : i32
    %dma_start3A_35 = tpu.memref_slice %arg2[%dma_start3A_33, %dma_start3A_34] : memref<8192x1024xf32, #tpu.memory_space<hbm>> -> memref<8192x1024xf32, #tpu.memory_space<hbm>>
    tpu.enqueue_indirect_dma source(%dma_start3A_35 : memref<8192x1024xf32, #tpu.memory_space<hbm>>) target(%arg15 : memref<32x1024xf32, #tpu.memory_space<vmem>>) offsets(%arg9 : memref<32xi32, #tpu.memory_space<vmem>>) semaphore(%arg17 : memref<!tpu.dma_semaphore, #tpu.memory_space<semaphore_mem>>)
    %dma_start3A_36 = arith.constant 0 : i32
    %dma_start3A_37 = arith.constant 0 : i32
    %dma_start3A_38 = tpu.memref_slice %arg2[%dma_start3A_36, %dma_start3A_37] : memref<8192x1024xf32, #tpu.memory_space<hbm>> -> memref<8192x1024xf32, #tpu.memory_space<hbm>>
    tpu.enqueue_indirect_dma source(%dma_start3A_38 : memref<8192x1024xf32, #tpu.memory_space<hbm>>) target(%arg16 : memref<32x1024xf32, #tpu.memory_space<vmem>>) offsets(%arg10 : memref<32xi32, #tpu.memory_space<vmem>>) semaphore(%arg18 : memref<!tpu.dma_semaphore, #tpu.memory_space<semaphore_mem>>)
    %dma_start3A_39 = arith.constant 0 : i32
    %dma_start3A_40 = arith.constant 0 : i32
    %dma_start3A_41 = tpu.memref_slice %arg3[%dma_start3A_39, %dma_start3A_40] : memref<8192x128xf32, #tpu.memory_space<hbm>> -> memref<8192x128xf32, #tpu.memory_space<hbm>>
    tpu.enqueue_indirect_dma source(%dma_start3A_41 : memref<8192x128xf32, #tpu.memory_space<hbm>>) target(%arg13 : memref<32x128xf32, #tpu.memory_space<vmem>>) offsets(%arg9 : memref<32xi32, #tpu.memory_space<vmem>>) semaphore(%arg19 : memref<!tpu.dma_semaphore, #tpu.memory_space<semaphore_mem>>)
    %dma_start3A_42 = arith.constant 0 : i32
    %dma_start3A_43 = arith.constant 0 : i32
    %dma_start3A_44 = tpu.memref_slice %arg3[%dma_start3A_42, %dma_start3A_43] : memref<8192x128xf32, #tpu.memory_space<hbm>> -> memref<8192x128xf32, #tpu.memory_space<hbm>>
    tpu.enqueue_indirect_dma source(%dma_start3A_44 : memref<8192x128xf32, #tpu.memory_space<hbm>>) target(%arg14 : memref<32x128xf32, #tpu.memory_space<vmem>>) offsets(%arg10 : memref<32xi32, #tpu.memory_space<vmem>>) semaphore(%arg20 : memref<!tpu.dma_semaphore, #tpu.memory_space<semaphore_mem>>)
    %dma_wait3A_45 = arith.constant 0 : i32
    %dma_wait3A_46 = arith.constant 0 : i32
    %dma_wait3A_47 = tpu.memref_slice %arg3[%dma_wait3A_45, %dma_wait3A_46] : memref<8192x128xf32, #tpu.memory_space<hbm>> -> memref<8192x128xf32, #tpu.memory_space<hbm>>
    tpu.wait_indirect_dma semaphore(%arg19 : memref<!tpu.dma_semaphore, #tpu.memory_space<semaphore_mem>>) src(%dma_wait3A_47 : memref<8192x128xf32, #tpu.memory_space<hbm>>) dst(%arg13 : memref<32x128xf32, #tpu.memory_space<vmem>>)
    %dma_wait3A_48 = arith.constant 0 : i32
    %dma_wait3A_49 = arith.constant 0 : i32
    %dma_wait3A_50 = tpu.memref_slice %arg3[%dma_wait3A_48, %dma_wait3A_49] : memref<8192x128xf32, #tpu.memory_space<hbm>> -> memref<8192x128xf32, #tpu.memory_space<hbm>>
    tpu.wait_indirect_dma semaphore(%arg20 : memref<!tpu.dma_semaphore, #tpu.memory_space<semaphore_mem>>) src(%dma_wait3A_50 : memref<8192x128xf32, #tpu.memory_space<hbm>>) dst(%arg14 : memref<32x128xf32, #tpu.memory_space<vmem>>)
    %dma_wait3A_51 = arith.constant 0 : i32
    %dma_wait3A_52 = arith.constant 0 : i32
    %dma_wait3A_53 = tpu.memref_slice %arg2[%dma_wait3A_51, %dma_wait3A_52] : memref<8192x1024xf32, #tpu.memory_space<hbm>> -> memref<8192x1024xf32, #tpu.memory_space<hbm>>
    tpu.wait_indirect_dma semaphore(%arg17 : memref<!tpu.dma_semaphore, #tpu.memory_space<semaphore_mem>>) src(%dma_wait3A_53 : memref<8192x1024xf32, #tpu.memory_space<hbm>>) dst(%arg15 : memref<32x1024xf32, #tpu.memory_space<vmem>>)
    %dma_wait3A_54 = arith.constant 0 : i32
    %dma_wait3A_55 = arith.constant 0 : i32
    %dma_wait3A_56 = tpu.memref_slice %arg2[%dma_wait3A_54, %dma_wait3A_55] : memref<8192x1024xf32, #tpu.memory_space<hbm>> -> memref<8192x1024xf32, #tpu.memory_space<hbm>>
    tpu.wait_indirect_dma semaphore(%arg18 : memref<!tpu.dma_semaphore, #tpu.memory_space<semaphore_mem>>) src(%dma_wait3A_56 : memref<8192x1024xf32, #tpu.memory_space<hbm>>) dst(%arg16 : memref<32x1024xf32, #tpu.memory_space<vmem>>)
    %scan3A_57 = arith.constant 0 : i32
    %scan3A_58 = arith.constant 32 : i32
    %scan3A_59 = arith.addi %scan3A_57, %scan3A_58 : i32
    %scan3A_60 = arith.constant 1 : i32
    scf.for %scan3A_62 = %scan3A_57 to %scan3A_59 step %scan3A_60  : i32 {
      %mul3A_63 = arith.constant 1 : i32
      %mul3A_64 = arith.muli %scan3A_62, %mul3A_63 : i32
      %add3A_65 = arith.constant 0 : i32
      %add3A_66 = arith.addi %add3A_65, %mul3A_64 : i32
      %broadcast_in_dim3A = arith.constant 0 : i32
      %broadcast_in_dim3A_67 = vector.broadcast %broadcast_in_dim3A : i32 to vector<16xi32>
      %add3A_68 = vector.broadcast %add3A_66 : i32 to vector<16xi32>
      %add3A_69 = arith.addi %broadcast_in_dim3A_67, %add3A_68 : vector<16xi32>
      %gather3A = tpu.vector_load_idx %arg11[%add3A_69] : memref<32xf32, #tpu.memory_space<vmem>>[vector<16xi32>], vector<16xf32>,
      %get3A = arith.index_cast %add3A_66 : i32 to index
      %get3A_70 = arith.constant 0 : index
      %get3A_71 = tpu.vector_load %arg13[%get3A, %get3A_70] {strides = array<i32>} : memref<32x128xf32, #tpu.memory_space<vmem>>, vector<16xf32>,
      %mul3A_72 = arith.mulf %gather3A, %get3A_71 : vector<16xf32>
      %gather3A_73 = tpu.vector_load_idx %arg12[%add3A_69] : memref<32xf32, #tpu.memory_space<vmem>>[vector<16xi32>], vector<16xf32>,
      %get3A_74 = arith.index_cast %add3A_66 : i32 to index
      %get3A_75 = arith.constant 0 : index
      %get3A_76 = tpu.vector_load %arg14[%get3A_74, %get3A_75] {strides = array<i32>} : memref<32x128xf32, #tpu.memory_space<vmem>>, vector<16xf32>,
      %mul3A_77 = arith.mulf %gather3A_73, %get3A_76 : vector<16xf32>
      %scan3A_78 = arith.constant 0 : i32
      %scan3A_79 = arith.constant 8 : i32
      %scan3A_80 = arith.addi %scan3A_78, %scan3A_79 : i32
      %scan3A_81 = arith.constant 1 : i32
      scf.for %scan3A_83 = %scan3A_78 to %scan3A_80 step %scan3A_81  : i32 {
        %mul3A_84 = arith.constant 128 : i32
        %mul3A_85 = arith.muli %scan3A_83, %mul3A_84 : i32
        %add3A_86 = arith.constant 0 : i32
        %add3A_87 = arith.addi %add3A_86, %mul3A_85 : i32
        %add3A_88 = arith.constant 0 : i32
        %add3A_89 = arith.addi %add3A_87, %add3A_88 : i32
        %get3A_90 = arith.index_cast %add3A_66 : i32 to index
        %get3A_91 = arith.index_cast %add3A_89 : i32 to index
        %get3A_92 = tpu.vector_load %arg15[%get3A_90, %get3A_91] {strides = array<i32>} : memref<32x1024xf32, #tpu.memory_space<vmem>>, vector<16xf32>,
        %mul3A_93 = arith.mulf %get3A_92, %mul3A_72 : vector<16xf32>
        %get3A_94 = arith.index_cast %add3A_66 : i32 to index
        %get3A_95 = arith.index_cast %add3A_89 : i32 to index
        %get3A_96 = tpu.vector_load %arg16[%get3A_94, %get3A_95] {strides = array<i32>} : memref<32x1024xf32, #tpu.memory_space<vmem>>, vector<16xf32>,
        %mul3A_97 = arith.mulf %get3A_96, %mul3A_77 : vector<16xf32>
        %add3A_98 = arith.addf %mul3A_93, %mul3A_97 : vector<16xf32>
        %swap3A = arith.index_cast %add3A_66 : i32 to index
        %swap3A_99 = arith.index_cast %add3A_89 : i32 to index
        %swap3A_100 = tpu.vector_load %arg15[%swap3A, %swap3A_99] {strides = array<i32>} : memref<32x1024xf32, #tpu.memory_space<vmem>>, vector<16xf32>,
        tpu.vector_store %arg15[%swap3A, %swap3A_99], %add3A_98 {strides = array<i32>} : memref<32x1024xf32, #tpu.memory_space<vmem>>, vector<16xf32>,
        %add3A_101 = arith.constant 16 : i32
        %add3A_102 = arith.addi %add3A_87, %add3A_101 : i32
        %get3A_103 = arith.index_cast %add3A_66 : i32 to index
        %get3A_104 = arith.index_cast %add3A_102 : i32 to index
        %get3A_105 = tpu.vector_load %arg15[%get3A_103, %get3A_104] {strides = array<i32>} : memref<32x1024xf32, #tpu.memory_space<vmem>>, vector<16xf32>,
        %mul3A_106 = arith.mulf %get3A_105, %mul3A_72 : vector<16xf32>
        %get3A_107 = arith.index_cast %add3A_66 : i32 to index
        %get3A_108 = arith.index_cast %add3A_102 : i32 to index
        %get3A_109 = tpu.vector_load %arg16[%get3A_107, %get3A_108] {strides = array<i32>} : memref<32x1024xf32, #tpu.memory_space<vmem>>, vector<16xf32>,
        %mul3A_110 = arith.mulf %get3A_109, %mul3A_77 : vector<16xf32>
        %add3A_111 = arith.addf %mul3A_106, %mul3A_110 : vector<16xf32>
        %swap3A_112 = arith.index_cast %add3A_66 : i32 to index
        %swap3A_113 = arith.index_cast %add3A_102 : i32 to index
        %swap3A_114 = tpu.vector_load %arg15[%swap3A_112, %swap3A_113] {strides = array<i32>} : memref<32x1024xf32, #tpu.memory_space<vmem>>, vector<16xf32>,
        tpu.vector_store %arg15[%swap3A_112, %swap3A_113], %add3A_111 {strides = array<i32>} : memref<32x1024xf32, #tpu.memory_space<vmem>>, vector<16xf32>,
        %add3A_115 = arith.constant 32 : i32
        %add3A_116 = arith.addi %add3A_87, %add3A_115 : i32
        %get3A_117 = arith.index_cast %add3A_66 : i32 to index
        %get3A_118 = arith.index_cast %add3A_116 : i32 to index
        %get3A_119 = tpu.vector_load %arg15[%get3A_117, %get3A_118] {strides = array<i32>} : memref<32x1024xf32, #tpu.memory_space<vmem>>, vector<16xf32>,
        %mul3A_120 = arith.mulf %get3A_119, %mul3A_72 : vector<16xf32>
        %get3A_121 = arith.index_cast %add3A_66 : i32 to index
        %get3A_122 = arith.index_cast %add3A_116 : i32 to index
        %get3A_123 = tpu.vector_load %arg16[%get3A_121, %get3A_122] {strides = array<i32>} : memref<32x1024xf32, #tpu.memory_space<vmem>>, vector<16xf32>,
        %mul3A_124 = arith.mulf %get3A_123, %mul3A_77 : vector<16xf32>
        %add3A_125 = arith.addf %mul3A_120, %mul3A_124 : vector<16xf32>
        %swap3A_126 = arith.index_cast %add3A_66 : i32 to index
        %swap3A_127 = arith.index_cast %add3A_116 : i32 to index
        %swap3A_128 = tpu.vector_load %arg15[%swap3A_126, %swap3A_127] {strides = array<i32>} : memref<32x1024xf32, #tpu.memory_space<vmem>>, vector<16xf32>,
        tpu.vector_store %arg15[%swap3A_126, %swap3A_127], %add3A_125 {strides = array<i32>} : memref<32x1024xf32, #tpu.memory_space<vmem>>, vector<16xf32>,
        %add3A_129 = arith.constant 48 : i32
        %add3A_130 = arith.addi %add3A_87, %add3A_129 : i32
        %get3A_131 = arith.index_cast %add3A_66 : i32 to index
        %get3A_132 = arith.index_cast %add3A_130 : i32 to index
        %get3A_133 = tpu.vector_load %arg15[%get3A_131, %get3A_132] {strides = array<i32>} : memref<32x1024xf32, #tpu.memory_space<vmem>>, vector<16xf32>,
        %mul3A_134 = arith.mulf %get3A_133, %mul3A_72 : vector<16xf32>
        %get3A_135 = arith.index_cast %add3A_66 : i32 to index
        %get3A_136 = arith.index_cast %add3A_130 : i32 to index
        %get3A_137 = tpu.vector_load %arg16[%get3A_135, %get3A_136] {strides = array<i32>} : memref<32x1024xf32, #tpu.memory_space<vmem>>, vector<16xf32>,
        %mul3A_138 = arith.mulf %get3A_137, %mul3A_77 : vector<16xf32>
        %add3A_139 = arith.addf %mul3A_134, %mul3A_138 : vector<16xf32>
        %swap3A_140 = arith.index_cast %add3A_66 : i32 to index
        %swap3A_141 = arith.index_cast %add3A_130 : i32 to index
        %swap3A_142 = tpu.vector_load %arg15[%swap3A_140, %swap3A_141] {strides = array<i32>} : memref<32x1024xf32, #tpu.memory_space<vmem>>, vector<16xf32>,
        tpu.vector_store %arg15[%swap3A_140, %swap3A_141], %add3A_139 {strides = array<i32>} : memref<32x1024xf32, #tpu.memory_space<vmem>>, vector<16xf32>,
        %add3A_143 = arith.constant 64 : i32
        %add3A_144 = arith.addi %add3A_87, %add3A_143 : i32
        %get3A_145 = arith.index_cast %add3A_66 : i32 to index
        %get3A_146 = arith.index_cast %add3A_144 : i32 to index
        %get3A_147 = tpu.vector_load %arg15[%get3A_145, %get3A_146] {strides = array<i32>} : memref<32x1024xf32, #tpu.memory_space<vmem>>, vector<16xf32>,
        %mul3A_148 = arith.mulf %get3A_147, %mul3A_72 : vector<16xf32>
        %get3A_149 = arith.index_cast %add3A_66 : i32 to index
        %get3A_150 = arith.index_cast %add3A_144 : i32 to index
        %get3A_151 = tpu.vector_load %arg16[%get3A_149, %get3A_150] {strides = array<i32>} : memref<32x1024xf32, #tpu.memory_space<vmem>>, vector<16xf32>,
        %mul3A_152 = arith.mulf %get3A_151, %mul3A_77 : vector<16xf32>
        %add3A_153 = arith.addf %mul3A_148, %mul3A_152 : vector<16xf32>
        %swap3A_154 = arith.index_cast %add3A_66 : i32 to index
        %swap3A_155 = arith.index_cast %add3A_144 : i32 to index
        %swap3A_156 = tpu.vector_load %arg15[%swap3A_154, %swap3A_155] {strides = array<i32>} : memref<32x1024xf32, #tpu.memory_space<vmem>>, vector<16xf32>,
        tpu.vector_store %arg15[%swap3A_154, %swap3A_155], %add3A_153 {strides = array<i32>} : memref<32x1024xf32, #tpu.memory_space<vmem>>, vector<16xf32>,
        %add3A_157 = arith.constant 80 : i32
        %add3A_158 = arith.addi %add3A_87, %add3A_157 : i32
        %get3A_159 = arith.index_cast %add3A_66 : i32 to index
        %get3A_160 = arith.index_cast %add3A_158 : i32 to index
        %get3A_161 = tpu.vector_load %arg15[%get3A_159, %get3A_160] {strides = array<i32>} : memref<32x1024xf32, #tpu.memory_space<vmem>>, vector<16xf32>,
        %mul3A_162 = arith.mulf %get3A_161, %mul3A_72 : vector<16xf32>
        %get3A_163 = arith.index_cast %add3A_66 : i32 to index
        %get3A_164 = arith.index_cast %add3A_158 : i32 to index
        %get3A_165 = tpu.vector_load %arg16[%get3A_163, %get3A_164] {strides = array<i32>} : memref<32x1024xf32, #tpu.memory_space<vmem>>, vector<16xf32>,
        %mul3A_166 = arith.mulf %get3A_165, %mul3A_77 : vector<16xf32>
        %add3A_167 = arith.addf %mul3A_162, %mul3A_166 : vector<16xf32>
        %swap3A_168 = arith.index_cast %add3A_66 : i32 to index
        %swap3A_169 = arith.index_cast %add3A_158 : i32 to index
        %swap3A_170 = tpu.vector_load %arg15[%swap3A_168, %swap3A_169] {strides = array<i32>} : memref<32x1024xf32, #tpu.memory_space<vmem>>, vector<16xf32>,
        tpu.vector_store %arg15[%swap3A_168, %swap3A_169], %add3A_167 {strides = array<i32>} : memref<32x1024xf32, #tpu.memory_space<vmem>>, vector<16xf32>,
        %add3A_171 = arith.constant 96 : i32
        %add3A_172 = arith.addi %add3A_87, %add3A_171 : i32
        %get3A_173 = arith.index_cast %add3A_66 : i32 to index
        %get3A_174 = arith.index_cast %add3A_172 : i32 to index
        %get3A_175 = tpu.vector_load %arg15[%get3A_173, %get3A_174] {strides = array<i32>} : memref<32x1024xf32, #tpu.memory_space<vmem>>, vector<16xf32>,
        %mul3A_176 = arith.mulf %get3A_175, %mul3A_72 : vector<16xf32>
        %get3A_177 = arith.index_cast %add3A_66 : i32 to index
        %get3A_178 = arith.index_cast %add3A_172 : i32 to index
        %get3A_179 = tpu.vector_load %arg16[%get3A_177, %get3A_178] {strides = array<i32>} : memref<32x1024xf32, #tpu.memory_space<vmem>>, vector<16xf32>,
        %mul3A_180 = arith.mulf %get3A_179, %mul3A_77 : vector<16xf32>
        %add3A_181 = arith.addf %mul3A_176, %mul3A_180 : vector<16xf32>
        %swap3A_182 = arith.index_cast %add3A_66 : i32 to index
        %swap3A_183 = arith.index_cast %add3A_172 : i32 to index
        %swap3A_184 = tpu.vector_load %arg15[%swap3A_182, %swap3A_183] {strides = array<i32>} : memref<32x1024xf32, #tpu.memory_space<vmem>>, vector<16xf32>,
        tpu.vector_store %arg15[%swap3A_182, %swap3A_183], %add3A_181 {strides = array<i32>} : memref<32x1024xf32, #tpu.memory_space<vmem>>, vector<16xf32>,
        %add3A_185 = arith.constant 112 : i32
        %add3A_186 = arith.addi %add3A_87, %add3A_185 : i32
        %get3A_187 = arith.index_cast %add3A_66 : i32 to index
        %get3A_188 = arith.index_cast %add3A_186 : i32 to index
        %get3A_189 = tpu.vector_load %arg15[%get3A_187, %get3A_188] {strides = array<i32>} : memref<32x1024xf32, #tpu.memory_space<vmem>>, vector<16xf32>,
        %mul3A_190 = arith.mulf %get3A_189, %mul3A_72 : vector<16xf32>
        %get3A_191 = arith.index_cast %add3A_66 : i32 to index
        %get3A_192 = arith.index_cast %add3A_186 : i32 to index
        %get3A_193 = tpu.vector_load %arg16[%get3A_191, %get3A_192] {strides = array<i32>} : memref<32x1024xf32, #tpu.memory_space<vmem>>, vector<16xf32>,
        %mul3A_194 = arith.mulf %get3A_193, %mul3A_77 : vector<16xf32>
        %add3A_195 = arith.addf %mul3A_190, %mul3A_194 : vector<16xf32>
        %swap3A_196 = arith.index_cast %add3A_66 : i32 to index
        %swap3A_197 = arith.index_cast %add3A_186 : i32 to index
        %swap3A_198 = tpu.vector_load %arg15[%swap3A_196, %swap3A_197] {strides = array<i32>} : memref<32x1024xf32, #tpu.memory_space<vmem>>, vector<16xf32>,
        tpu.vector_store %arg15[%swap3A_196, %swap3A_197], %add3A_195 {strides = array<i32>} : memref<32x1024xf32, #tpu.memory_space<vmem>>, vector<16xf32>,
      }
      %scan3A_82 = arith.constant 8 : i32
    }
    %scan3A_61 = arith.constant 32 : i32
    "tpu.region"() ({
      %run_scoped3A = tpu.sem_alloc : memref<!tpu.dma_semaphore, #tpu.memory_space<semaphore_mem>>
      %dma_start3A_62 = arith.constant 0 : i32
      %dma_start3A_63 = tpu.memref_slice %arg8[%add3A_32, %dma_start3A_62] : memref<2048x1024xf32, #tpu.memory_space<hbm>> -> memref<32x1024xf32, #tpu.memory_space<hbm>>
      %dma_start3A_64 = arith.constant 0 : i32
      %dma_start3A_65 = tpu.memref_slice %arg8[%add3A_32, %dma_start3A_64] : memref<2048x1024xf32, #tpu.memory_space<hbm>> -> memref<32x1024xf32, #tpu.memory_space<hbm>>
      tpu.enqueue_dma source(%arg15 : memref<32x1024xf32, #tpu.memory_space<vmem>>) target(%dma_start3A_65 : memref<32x1024xf32, #tpu.memory_space<hbm>>) target_semaphore(%run_scoped3A : memref<!tpu.dma_semaphore, #tpu.memory_space<semaphore_mem>>)
      %dma_wait3A_66 = arith.constant 0 : i32
      %dma_wait3A_67 = tpu.memref_slice %arg8[%add3A_32, %dma_wait3A_66] : memref<2048x1024xf32, #tpu.memory_space<hbm>> -> memref<32x1024xf32, #tpu.memory_space<hbm>>
      %dma_wait3A_68 = arith.constant 0 : i32
      %dma_wait3A_69 = tpu.memref_slice %arg8[%add3A_32, %dma_wait3A_68] : memref<2048x1024xf32, #tpu.memory_space<hbm>> -> memref<32x1024xf32, #tpu.memory_space<hbm>>
      tpu.wait_dma2 semaphore(%run_scoped3A : memref<!tpu.dma_semaphore, #tpu.memory_space<semaphore_mem>>) src(%arg15 : memref<32x1024xf32, #tpu.memory_space<vmem>>) dst(%dma_wait3A_69 : memref<32x1024xf32, #tpu.memory_space<hbm>>)
      tpu.yield
    }) : () -> ()
    return
  }
}

module attributes {stable_mosaic.version = 14 : i64} {
  func.func @_router_body(%arg0: i32, %arg1: memref<512x1024xf32, #tpu.memory_space<vmem>>, %arg2: memref<1024x128xf32, #tpu.memory_space<vmem>>, %arg3: memref<1x128xf32, #tpu.memory_space<vmem>>, %arg4: memref<512x1xi32, #tpu.memory_space<vmem>>, %arg5: memref<512x1xi32, #tpu.memory_space<vmem>>, %arg6: memref<512x1xf32, #tpu.memory_space<vmem>>, %arg7: memref<512x1xf32, #tpu.memory_space<vmem>>) attributes {dimension_semantics = [#tpu.dimension_semantics<arbitrary>], iteration_bounds = array<i64: 4>, scalar_prefetch = 0 : i64, scratch_operands = 0 : i64, tpu.core_type = #tpu.core_type<tc>, window_params = [{transform_indices = @transform_0, window_bounds = array<i64: 512, 1024>}, {pipeline_mode = #tpu.pipeline_mode<synchronous>, transform_indices = @transform_1, window_bounds = array<i64: 1024, 128>}, {pipeline_mode = #tpu.pipeline_mode<synchronous>, transform_indices = @transform_2, window_bounds = array<i64: 1, 128>}, {transform_indices = @transform_3, window_bounds = array<i64: 512, 1>}, {transform_indices = @transform_4, window_bounds = array<i64: 512, 1>}, {transform_indices = @transform_5, window_bounds = array<i64: 512, 1>}, {transform_indices = @transform_6, window_bounds = array<i64: 512, 1>}]} {
    %get3A = arith.constant 0 : index
    %get3A_0 = arith.constant 0 : index
    %get3A_1 = vector.load %arg1[%get3A, %get3A_0] : memref<512x1024xf32, #tpu.memory_space<vmem>>, vector<512x1024xf32>
    %get3A_2 = arith.constant 0 : index
    %get3A_3 = arith.constant 0 : index
    %get3A_4 = vector.load %arg2[%get3A_2, %get3A_3] : memref<1024x128xf32, #tpu.memory_space<vmem>>, vector<1024x128xf32>
    %dot_general3A = arith.constant dense<0.000000e+00> : vector<512x128xf32>
    %dot_general3A_5 = tpu.matmul %get3A_1, %get3A_4, %dot_general3A {dimension_numbers = #tpu.dot_dimension_numbers<[1], [0], [0], [1], [0, 0, 1, 1], [], []>, transpose_lhs_hint = false} : vector<512x1024xf32>, vector<1024x128xf32>, vector<512x128xf32> -> vector<512x128xf32>
    %get3A_6 = arith.constant 0 : index
    %get3A_7 = arith.constant 0 : index
    %get3A_8 = vector.load %arg3[%get3A_6, %get3A_7] : memref<1x128xf32, #tpu.memory_space<vmem>>, vector<1x128xf32>
    %add3A = vector.broadcast %get3A_8 : vector<1x128xf32> to vector<512x128xf32>
    %add3A_9 = arith.addf %dot_general3A_5, %add3A : vector<512x128xf32>
    %iota3A = tpu.iota {dimensions = array<i32: 1>} : vector<512x128xi32>
    %lt3A = arith.constant 8 : i32
    %lt3A_10 = vector.broadcast %lt3A : i32 to vector<512x128xi32>
    %lt3A_11 = arith.cmpi slt, %iota3A, %lt3A_10 : vector<512x128xi32>
    %jit3A = arith.constant -1.000000e+30 : f32
    %broadcast_in_dim3A = vector.broadcast %jit3A : f32 to vector<512x128xf32>
    %select_n3A = arith.select %lt3A_11, %add3A_9, %broadcast_in_dim3A : vector<512x128xi1>, vector<512x128xf32>
    %reduce_max3A = arith.constant dense<0xFF800000> : vector<512xf32>
    %reduce_max3A_12 = vector.multi_reduction <maximumf>, %select_n3A, %reduce_max3A [1] : vector<512x128xf32> to vector<512xf32>
    %broadcast_in_dim3A_13 = vector.shape_cast %reduce_max3A_12 : vector<512xf32> to vector<512x1xf32>
    %eq3A = vector.broadcast %broadcast_in_dim3A_13 : vector<512x1xf32> to vector<512x128xf32>
    %eq3A_14 = arith.cmpf oeq, %select_n3A, %eq3A : vector<512x128xf32>
    %jit3A_15 = arith.constant 8 : i32
    %broadcast_in_dim3A_16 = vector.broadcast %jit3A_15 : i32 to vector<512x128xi32>
    %select_n3A_17 = arith.select %eq3A_14, %iota3A, %broadcast_in_dim3A_16 : vector<512x128xi1>, vector<512x128xi32>
    %reduce_min3A = arith.constant dense<2147483647> : vector<512xi32>
    %reduce_min3A_18 = vector.multi_reduction <minsi>, %select_n3A_17, %reduce_min3A [1] : vector<512x128xi32> to vector<512xi32>
    %broadcast_in_dim3A_19 = vector.shape_cast %reduce_min3A_18 : vector<512xi32> to vector<512x1xi32>
    %ne3A = vector.broadcast %broadcast_in_dim3A_19 : vector<512x1xi32> to vector<512x128xi32>
    %ne3A_20 = arith.cmpi ne, %iota3A, %ne3A : vector<512x128xi32>
    %and3A = arith.andi %ne3A_20, %lt3A_11 : vector<512x128xi1>
    %jit3A_21 = arith.constant -1.000000e+30 : f32
    %broadcast_in_dim3A_22 = vector.broadcast %jit3A_21 : f32 to vector<512x128xf32>
    %select_n3A_23 = arith.select %and3A, %select_n3A, %broadcast_in_dim3A_22 : vector<512x128xi1>, vector<512x128xf32>
    %reduce_max3A_24 = arith.constant dense<0xFF800000> : vector<512xf32>
    %reduce_max3A_25 = vector.multi_reduction <maximumf>, %select_n3A_23, %reduce_max3A_24 [1] : vector<512x128xf32> to vector<512xf32>
    %broadcast_in_dim3A_26 = vector.shape_cast %reduce_max3A_25 : vector<512xf32> to vector<512x1xf32>
    %eq3A_27 = vector.broadcast %broadcast_in_dim3A_26 : vector<512x1xf32> to vector<512x128xf32>
    %eq3A_28 = arith.cmpf oeq, %select_n3A_23, %eq3A_27 : vector<512x128xf32>
    %jit3A_29 = arith.constant 8 : i32
    %broadcast_in_dim3A_30 = vector.broadcast %jit3A_29 : i32 to vector<512x128xi32>
    %select_n3A_31 = arith.select %eq3A_28, %iota3A, %broadcast_in_dim3A_30 : vector<512x128xi1>, vector<512x128xi32>
    %reduce_min3A_32 = arith.constant dense<2147483647> : vector<512xi32>
    %reduce_min3A_33 = vector.multi_reduction <minsi>, %select_n3A_31, %reduce_min3A_32 [1] : vector<512x128xi32> to vector<512xi32>
    %broadcast_in_dim3A_34 = vector.shape_cast %reduce_min3A_33 : vector<512xi32> to vector<512x1xi32>
    %sub3A = arith.subf %broadcast_in_dim3A_26, %broadcast_in_dim3A_13 : vector<512x1xf32>
    %exp3A = math.exp %sub3A : vector<512x1xf32>
    %add3A_35 = arith.constant 1.000000e+00 : f32
    %add3A_36 = vector.broadcast %add3A_35 : f32 to vector<512x1xf32>
    %add3A_37 = arith.addf %add3A_36, %exp3A : vector<512x1xf32>
    %div3A = arith.constant 1.000000e+00 : f32
    %div3A_38 = vector.broadcast %div3A : f32 to vector<512x1xf32>
    %div3A_39 = arith.divf %div3A_38, %add3A_37 : vector<512x1xf32>
    %add3A_40 = arith.constant 1.000000e+00 : f32
    %add3A_41 = vector.broadcast %add3A_40 : f32 to vector<512x1xf32>
    %add3A_42 = arith.addf %add3A_41, %exp3A : vector<512x1xf32>
    %div3A_43 = arith.divf %exp3A, %add3A_42 : vector<512x1xf32>
    %sub3A_44 = arith.subf %div3A_43, %div3A_39 : vector<512x1xf32>
    %exp3A_45 = math.exp %sub3A_44 : vector<512x1xf32>
    %swap3A = arith.constant 0 : index
    %swap3A_46 = arith.constant 0 : index
    %swap3A_47 = vector.load %arg4[%swap3A, %swap3A_46] : memref<512x1xi32, #tpu.memory_space<vmem>>, vector<512x1xi32>
    tpu.vector_store %arg4[%swap3A, %swap3A_46], %broadcast_in_dim3A_19 {strides = array<i32>} : memref<512x1xi32, #tpu.memory_space<vmem>>, vector<512x1xi32>,
    %swap3A_48 = arith.constant 0 : index
    %swap3A_49 = arith.constant 0 : index
    %swap3A_50 = vector.load %arg5[%swap3A_48, %swap3A_49] : memref<512x1xi32, #tpu.memory_space<vmem>>, vector<512x1xi32>
    tpu.vector_store %arg5[%swap3A_48, %swap3A_49], %broadcast_in_dim3A_34 {strides = array<i32>} : memref<512x1xi32, #tpu.memory_space<vmem>>, vector<512x1xi32>,
    %add3A_51 = arith.constant 1.000000e+00 : f32
    %add3A_52 = vector.broadcast %add3A_51 : f32 to vector<512x1xf32>
    %add3A_53 = arith.addf %add3A_52, %exp3A_45 : vector<512x1xf32>
    %div3A_54 = arith.constant 1.000000e+00 : f32
    %div3A_55 = vector.broadcast %div3A_54 : f32 to vector<512x1xf32>
    %div3A_56 = arith.divf %div3A_55, %add3A_53 : vector<512x1xf32>
    %swap3A_57 = arith.constant 0 : index
    %swap3A_58 = arith.constant 0 : index
    %swap3A_59 = vector.load %arg6[%swap3A_57, %swap3A_58] : memref<512x1xf32, #tpu.memory_space<vmem>>, vector<512x1xf32>
    tpu.vector_store %arg6[%swap3A_57, %swap3A_58], %div3A_56 {strides = array<i32>} : memref<512x1xf32, #tpu.memory_space<vmem>>, vector<512x1xf32>,
    %add3A_60 = arith.constant 1.000000e+00 : f32
    %add3A_61 = vector.broadcast %add3A_60 : f32 to vector<512x1xf32>
    %add3A_62 = arith.addf %add3A_61, %exp3A_45 : vector<512x1xf32>
    %div3A_63 = arith.divf %exp3A_45, %add3A_62 : vector<512x1xf32>
    %swap3A_64 = arith.constant 0 : index
    %swap3A_65 = arith.constant 0 : index
    %swap3A_66 = vector.load %arg7[%swap3A_64, %swap3A_65] : memref<512x1xf32, #tpu.memory_space<vmem>>, vector<512x1xf32>
    tpu.vector_store %arg7[%swap3A_64, %swap3A_65], %div3A_63 {strides = array<i32>} : memref<512x1xf32, #tpu.memory_space<vmem>>, vector<512x1xf32>,
    return
  }
  func.func @transform_0(%arg0: i32) -> (i32, i32) {
    %c0_i32 = arith.constant 0 : i32
    %c0_i32_0 = arith.constant 0 : i32
    return %arg0, %c0_i32 : i32, i32
  }
  func.func @transform_1(%arg0: i32) -> (i32, i32) {
    %c0_i32 = arith.constant 0 : i32
    %c0_i32_0 = arith.constant 0 : i32
    %c0_i32_1 = arith.constant 0 : i32
    return %c0_i32, %c0_i32_0 : i32, i32
  }
  func.func @transform_2(%arg0: i32) -> (i32, i32) {
    %c0_i32 = arith.constant 0 : i32
    %c0_i32_0 = arith.constant 0 : i32
    %c0_i32_1 = arith.constant 0 : i32
    return %c0_i32, %c0_i32_0 : i32, i32
  }
  func.func @transform_3(%arg0: i32) -> (i32, i32) {
    %c0_i32 = arith.constant 0 : i32
    %c0_i32_0 = arith.constant 0 : i32
    return %arg0, %c0_i32 : i32, i32
  }
  func.func @transform_4(%arg0: i32) -> (i32, i32) {
    %c0_i32 = arith.constant 0 : i32
    %c0_i32_0 = arith.constant 0 : i32
    return %arg0, %c0_i32 : i32, i32
  }
  func.func @transform_5(%arg0: i32) -> (i32, i32) {
    %c0_i32 = arith.constant 0 : i32
    %c0_i32_0 = arith.constant 0 : i32
    return %arg0, %c0_i32 : i32, i32
  }
  func.func @transform_6(%arg0: i32) -> (i32, i32) {
    %c0_i32 = arith.constant 0 : i32
    %c0_i32_0 = arith.constant 0 : i32
    return %arg0, %c0_i32 : i32, i32
  }
}

module attributes {stable_mosaic.version = 14 : i64} {
  func.func @_ffn_body(%arg0: i32, %arg1: memref<17xi32, #tpu.memory_space<smem>>, %arg2: memref<512x1024xf32, #tpu.memory_space<vmem>>, %arg3: memref<1x1024x1024xf32, #tpu.memory_space<vmem>>, %arg4: memref<1x1x1024xf32, #tpu.memory_space<vmem>>, %arg5: memref<512x1024xf32, #tpu.memory_space<vmem>>, %arg6: memref<512x128xf32, #tpu.memory_space<vmem>>) attributes {dimension_semantics = [#tpu.dimension_semantics<arbitrary>], iteration_bounds = array<i64: 16>, scalar_prefetch = 1 : i64, scratch_operands = 0 : i64, tpu.core_type = #tpu.core_type<tc>, window_params = [{transform_indices = @transform_0, window_bounds = array<i64: 512, 1024>}, {transform_indices = @transform_1, window_bounds = array<i64: 1, 1024, 1024>}, {transform_indices = @transform_2, window_bounds = array<i64: 1, 1, 1024>}, {transform_indices = @transform_3, window_bounds = array<i64: 512, 1024>}, {transform_indices = @transform_4, window_bounds = array<i64: 512, 128>}]} {
    %get3A = arith.constant 16 : index
    %get3A_0 = memref.load %arg1[%get3A] : memref<17xi32, #tpu.memory_space<smem>>
    %lt3A = arith.cmpi slt, %arg0, %get3A_0 : i32
    %convert_element_type3A = arith.extui %lt3A : i1 to i32
    %cond3A = arith.constant 0 : i32
    %cond3A_1 = arith.cmpi ne, %convert_element_type3A, %cond3A : i32
    scf.if %cond3A_1 {
      %get3A_2 = arith.constant 0 : index
      %get3A_3 = arith.constant 0 : index
      %get3A_4 = vector.load %arg2[%get3A_2, %get3A_3] : memref<512x1024xf32, #tpu.memory_space<vmem>>, vector<512x1024xf32>
      %get3A_5 = arith.constant 0 : index
      %get3A_6 = arith.constant 0 : index
      %get3A_7 = arith.constant 0 : index
      %get3A_8 = vector.load %arg3[%get3A_5, %get3A_6, %get3A_7] : memref<1x1024x1024xf32, #tpu.memory_space<vmem>>, vector<1x1024x1024xf32>
      %get3A_9 = vector.shape_cast %get3A_8 : vector<1x1024x1024xf32> to vector<1024x1024xf32>
      %dot_general3A = arith.constant dense<0.000000e+00> : vector<512x1024xf32>
      %dot_general3A_10 = tpu.matmul %get3A_4, %get3A_9, %dot_general3A {dimension_numbers = #tpu.dot_dimension_numbers<[1], [0], [0], [1], [0, 0, 1, 1], [], []>, transpose_lhs_hint = false} : vector<512x1024xf32>, vector<1024x1024xf32>, vector<512x1024xf32> -> vector<512x1024xf32>
      %get3A_11 = arith.constant 0 : index
      %get3A_12 = arith.constant 0 : index
      %get3A_13 = arith.constant 0 : index
      %get3A_14 = vector.load %arg4[%get3A_11, %get3A_12, %get3A_13] : memref<1x1x1024xf32, #tpu.memory_space<vmem>>, vector<1x1x1024xf32>
      %get3A_15 = vector.shape_cast %get3A_14 : vector<1x1x1024xf32> to vector<1x1024xf32>
      %add3A = vector.broadcast %get3A_15 : vector<1x1024xf32> to vector<512x1024xf32>
      %add3A_16 = arith.addf %dot_general3A_10, %add3A : vector<512x1024xf32>
      %max3A = arith.constant 0.000000e+00 : f32
      %max3A_17 = vector.broadcast %max3A : f32 to vector<512x1024xf32>
      %max3A_18 = arith.maximumf %add3A_16, %max3A_17 : vector<512x1024xf32>
      %exp3A = math.exp %max3A_18 : vector<512x1024xf32>
      %swap3A = arith.constant 0 : index
      %swap3A_19 = arith.constant 0 : index
      %swap3A_20 = vector.load %arg5[%swap3A, %swap3A_19] : memref<512x1024xf32, #tpu.memory_space<vmem>>, vector<512x1024xf32>
      tpu.vector_store %arg5[%swap3A, %swap3A_19], %exp3A {strides = array<i32>} : memref<512x1024xf32, #tpu.memory_space<vmem>>, vector<512x1024xf32>,
      %reduce_sum3A = arith.constant dense<0.000000e+00> : vector<512xf32>
      %reduce_sum3A_21 = vector.multi_reduction <add>, %exp3A, %reduce_sum3A [1] : vector<512x1024xf32> to vector<512xf32>
      %broadcast_in_dim3A = vector.shape_cast %reduce_sum3A_21 : vector<512xf32> to vector<512x1xf32>
      %div3A = arith.constant 1.000000e+00 : f32
      %div3A_22 = vector.broadcast %div3A : f32 to vector<512x1xf32>
      %div3A_23 = arith.divf %div3A_22, %broadcast_in_dim3A : vector<512x1xf32>
      %broadcast_in_dim3A_24 = vector.shape_cast %div3A_23 : vector<512x1xf32> to vector<512x1xf32>
      %broadcast_in_dim3A_25 = vector.broadcast %broadcast_in_dim3A_24 : vector<512x1xf32> to vector<512x128xf32>
      %swap3A_26 = arith.constant 0 : index
      %swap3A_27 = arith.constant 0 : index
      %swap3A_28 = vector.load %arg6[%swap3A_26, %swap3A_27] : memref<512x128xf32, #tpu.memory_space<vmem>>, vector<512x128xf32>
      tpu.vector_store %arg6[%swap3A_26, %swap3A_27], %broadcast_in_dim3A_25 {strides = array<i32>} : memref<512x128xf32, #tpu.memory_space<vmem>>, vector<512x128xf32>,
    } else {
    }
    return
  }
  func.func @transform_0(%arg0: i32, %arg1: memref<17xi32, #tpu.memory_space<smem>>) -> (i32, i32) {
    %c0_i32 = arith.constant 0 : i32
    %c0_i32_0 = arith.constant 0 : i32
    return %arg0, %c0_i32 : i32, i32
  }
  func.func @transform_1(%arg0: i32, %arg1: memref<17xi32, #tpu.memory_space<smem>>) -> (i32, i32, i32) {
    %get3A = arith.index_cast %arg0 : i32 to index
    %get3A_0 = memref.load %arg1[%get3A] : memref<17xi32, #tpu.memory_space<smem>>
    %c0_i32 = arith.constant 0 : i32
    %c0_i32_1 = arith.constant 0 : i32
    %c0_i32_2 = arith.constant 0 : i32
    return %get3A_0, %c0_i32, %c0_i32_1 : i32, i32, i32
  }
  func.func @transform_2(%arg0: i32, %arg1: memref<17xi32, #tpu.memory_space<smem>>) -> (i32, i32, i32) {
    %get3A = arith.index_cast %arg0 : i32 to index
    %get3A_0 = memref.load %arg1[%get3A] : memref<17xi32, #tpu.memory_space<smem>>
    %c0_i32 = arith.constant 0 : i32
    %c0_i32_1 = arith.constant 0 : i32
    %c0_i32_2 = arith.constant 0 : i32
    return %get3A_0, %c0_i32, %c0_i32_1 : i32, i32, i32
  }
  func.func @transform_3(%arg0: i32, %arg1: memref<17xi32, #tpu.memory_space<smem>>) -> (i32, i32) {
    %c0_i32 = arith.constant 0 : i32
    %c0_i32_0 = arith.constant 0 : i32
    return %arg0, %c0_i32 : i32, i32
  }
  func.func @transform_4(%arg0: i32, %arg1: memref<17xi32, #tpu.memory_space<smem>>) -> (i32, i32) {
    %c0_i32 = arith.constant 0 : i32
    %c0_i32_0 = arith.constant 0 : i32
    return %arg0, %c0_i32 : i32, i32
  }
}

</mosaic_0001>

<sc_bundles>
// kernel: sc_combine.3.cloned.1.call-start
scs
__scs_entry_jumppad:
0x0: {  	(pc) =	sbr.rel $0x88, $3  }
0x1: {  	(tag) =	ssettag $0x0;
	lr =	simm.s32 $0x1  }
0x2: {  	[smem:$0x3F9C] =	sst lr;
	_ =	strace $0xD0000000  }
0x3: {  	_ = 	snop  }
0x4: {  	_ = 	snop  }
0x5: {  	_ = 	snop  }
0x6: {  	_ = 	snop  }
0x7: {  	_ = 	snop  }
__scs_overlays_trampoline_lowered:
0x8: {  	[smem:$0x3FAB] =	sst s0  }
0x9: {  	[smem:$0x3FAC] =	sst s1  }
0xa: {  	[smem:$0x3FAD] =	sst s2  }
0xb: {  	[smem:$0x3FAE] =	sst s3  }
0xc: {  	[smem:$0x3FAF] =	sst s4  }
0xd: {  	[smem:$0x3FB0] =	sst s5  }
0xe: {  	[smem:$0x3FB1] =	sst s6  }
0xf: {  	[smem:$0x3FB2] =	sst s7  }
0x10: {  	[smem:$0x3FB3] =	sst s8  }
0x11: {  	[smem:$0x3FB4] =	sst s9;
	s0 =	simm.s32 @!p0 $0x0  }
0x12: {  	s1 =	sld [smem:$0x3F9A];
	s0 =	simm.s32 @p0 $0x1  }
0x13: {  	[smem:$0x3FB5] =	sst s0;
	s0 =	simm.s32 @!p1 $0x0  }
0x14: {  	s2 =	sld [smem:$0x3F99];
	s0 =	simm.s32 @p1 $0x1  }
0x15: {  	[smem:$0x3FB6] =	sst s0;
	s0 =	simm.s32 @!p2 $0x0  }
0x16: {  	s3 =	sld [smem:$0x3FDB];
	s0 =	simm.s32 @p2 $0x1  }
0x17: {  	s4 =	simm.s32 $0x1BF5;
	[smem:$0x3FB8] =	sst s0  }
0x18: {  	s0 =	sld [smem:$0x3F9B];
	_ =	swait.ge [sflag:s4], $0x0  }
0x19: {  	s7 =	sld [smem:$0x3F9C]  }
0x1a: {  	s8 =	sadd.s32 $0xFFFFE003, lr  }
0x1b: {  	s9 =	sadd.s32 $0xFFFFFEF7, lr;
	s5 =	simm.s32 $0xFFFFFFFF;
	p2 =	slt.u32 s8, $0xFFFFF086  }
0x1c: {  	p1 =	slt.u32 s9, $0xF7A;
	s5 =	simm.s32 @!p2 $0x0  }
0x1d: {  	s5 =	simm.s32 @p1 $0x1;
	p0 =	seq.s32 s7, s2  }
0x1e: {  	s7 =	smul.u32 @!p0 $0xF7A, s2;
	p2 =	seq.s32 @!p0 s5, $0x0  }
0x1f: {  	s9 =	smul.u32 $0xF7A, s1;
	s8 =	simm.s32 @!p0 $0x1BF5;
	p2 =	por !p2, p0  }
0x20: {  	[sflag:s8] =	ssyncset.s32 @!p0 $0xFFFFF086;
	s6 =	sadd.s32 @!p0 s3, s7;
	s7 =	simm.s32 @!p0 $0x108  }
0x21: {  	s3 =	sadd.s32 s3, s9;
	s6 =	sadd.s32 @!p0 $0x88, s6;
	s7 =	simm.s32 @p2 $0x1082  }
0x22: {  	[simem:s7], [sflag:s8] =	dma.local @!p0 [hbm:s6], $0xF7A  }
0x23: {  	s9 =	sor.u32 $0xD0000000, s2;
	s6 =	simm.s32 $0x108;
	_ =	swait.ge @!p0 [sflag:s8], $0x0  }
0x24: {  	s3 =	sadd.s32 $0x88, s3;
	s6 =	simm.s32 @!p1 $0x1082;
	[sflag:s4] =	ssyncset.s32 $0xFFFFF086  }
0x25: {  	[simem:s6], [sflag:s4] =	dma.local [hbm:s3], $0xF7A  }
0x26: {  	[smem:$0x3F9C] =	sst s1;
	(tag) =	ssettag s2;
	_ =	strace s9  }
0x27: {  	s1 =	sld [smem:$0x3FAC]  }
0x28: {  	s2 =	sld [smem:$0x3FAD]  }
0x29: {  	s4 =	sld [smem:$0x3FAF]  }
0x2a: {  	p0 =	seq.s32 s5, $0x0;
	s5 =	sld [smem:$0x3FB0]  }
0x2b: {  	s6 =	sld [smem:$0x3FB1]  }
0x2c: {  	s7 =	sld [smem:$0x3FB2]  }
0x2d: {  	s3 =	simm.s32 $0x108;
	s8 =	sld [smem:$0x3FB3]  }
0x2e: {  	s3 =	simm.s32 @!p0 $0x1082;
	s9 =	sld [smem:$0x3FB4]  }
0x2f: {  	lr =	sadd.s32 s0, s3;
	s0 =	sld [smem:$0x3FAB]  }
0x30: {  	s3 =	sld [smem:$0x3FAE]  }
0x31: {  	[smem:$0x3FB7] =	sst s10  }
0x32: {  	s10 =	sld [smem:$0x3FB5];
	_ =	sdelay $0x3  }
0x33: {  	p0 =	seq.s32 s10, $0x1;
	s10 =	sld [smem:$0x3FB7];
	_ =	sdelay $0x3  }
0x34: {  	[smem:$0x3FB7] =	sst s10  }
0x35: {  	s10 =	sld [smem:$0x3FB6];
	_ =	sdelay $0x3  }
0x36: {  	p1 =	seq.s32 s10, $0x1;
	s10 =	sld [smem:$0x3FB7];
	_ =	sdelay $0x3  }
0x37: {  	[smem:$0x3FB7] =	sst s10  }
0x38: {  	s10 =	sld [smem:$0x3FB8]  }
0x39: {  	_ = 	snop;
	(pc) =	sbr.ind lr, $3  }
0x3a: {  	_ = 	snop  }
0x3b: {  	_ = 	snop  }
0x3c: {  	p2 =	seq.s32 s10, $0x1;
	s10 =	sld [smem:$0x3FB7]  }
0x3d: {  	_ =	shalt  }
0x3e: {  	_ =	shalt  }
0x3f: {  	_ =	shalt  }
0x40: {  	_ =	shalt  }
0x41: {  	_ =	shalt  }
0x42: {  	_ =	shalt  }
0x43: {  	_ =	shalt  }
0x44: {  	_ =	shalt  }
0x45: {  	_ =	shalt  }
0x46: {  	_ =	shalt  }
0x47: {  	_ =	shalt  }
0x48: {  	_ =	shalt  }
0x49: {  	_ =	shalt  }
0x4a: {  	_ =	shalt  }
0x4b: {  	_ =	shalt  }
0x4c: {  	_ =	shalt  }
0x4d: {  	_ =	shalt  }
0x4e: {  	_ =	shalt  }
0x4f: {  	_ =	shalt  }
0x50: {  	_ =	shalt  }
0x51: {  	_ =	shalt  }
0x52: {  	_ =	shalt  }
0x53: {  	_ =	shalt  }
0x54: {  	_ =	shalt  }
0x55: {  	_ =	shalt  }
0x56: {  	_ =	shalt  }
0x57: {  	_ =	shalt  }
0x58: {  	_ =	shalt  }
0x59: {  	_ =	shalt  }
0x5a: {  	_ =	shalt  }
0x5b: {  	_ =	shalt  }
0x5c: {  	_ =	shalt  }
0x5d: {  	_ =	shalt  }
0x5e: {  	_ =	shalt  }
0x5f: {  	_ =	shalt  }
0x60: {  	_ =	shalt  }
0x61: {  	_ =	shalt  }
0x62: {  	_ =	shalt  }
0x63: {  	_ =	shalt  }
0x64: {  	_ =	shalt  }
0x65: {  	_ =	shalt  }
0x66: {  	_ =	shalt  }
0x67: {  	_ =	shalt  }
0x68: {  	_ =	shalt  }
0x69: {  	_ =	shalt  }
0x6a: {  	_ =	shalt  }
0x6b: {  	_ =	shalt  }
0x6c: {  	_ =	shalt  }
0x6d: {  	_ =	shalt  }
0x6e: {  	_ =	shalt  }
0x6f: {  	_ =	shalt  }
0x70: {  	_ =	shalt  }
0x71: {  	_ =	shalt  }
0x72: {  	_ =	shalt  }
0x73: {  	_ =	shalt  }
0x74: {  	_ =	shalt  }
0x75: {  	_ =	shalt  }
0x76: {  	_ =	shalt  }
0x77: {  	_ =	shalt  }
0x78: {  	_ =	shalt  }
0x79: {  	_ =	shalt  }
0x7a: {  	_ =	shalt  }
0x7b: {  	_ =	shalt  }
0x7c: {  	_ =	shalt  }
0x7d: {  	_ =	shalt  }
0x7e: {  	_ =	shalt  }
0x7f: {  	_ =	shalt  }
0x80: {  	_ =	shalt  }
0x81: {  	_ =	shalt  }
0x82: {  	_ =	shalt  }
0x83: {  	_ =	shalt  }
0x84: {  	_ =	shalt  }
0x85: {  	_ =	shalt  }
0x86: {  	_ =	shalt  }
0x87: {  	_ =	shalt  }
.Lfunc_end0:
.L_simem_size_0:
called_computation.1_lowered:
.L_overlay_start_0:
0x88: {  	s2 =	sld [smem:$0x3FD9]  }
0x89: {  	s3 =	sld [smem:$0x3FFE];
	_ =	sdelay $0x1  }
0x8a: {  	s1 =	srdreg.scid  }
0x8b: {  	s0 =	sand.u32 $0x1, s1  }
0x8c: {  	s17 =	sshll.u32 s0, $0xA;
	s2 =	sadd.s32 s3, s2  }
0x8d: {  	s2 =	sadd.s32 s2, s17  }
0x8e: {  	[smem:$0x3FC3] =	sst s2  }
0x8f: {  	_ = 	snop  }
0x90: {  	s2 =	sld [smem:$0x3FD0];
	(tm) =	ssettm $0x1  }
0x91: {  	s18 =	sld [smem:$0x3FFB];
	_ =	sdelay $0x3  }
0x92: {  	_ =	strace s18  }
0x93: {  	s3 =	sld [smem:$0x3FFC];
	_ =	sdelay $0x3  }
0x94: {  	_ =	strace s3  }
0x95: {  	s3 =	sld [smem:$0x3FFD];
	_ =	sdelay $0x3  }
0x96: {  	_ =	strace s3  }
0x97: {  	_ =	strace $0x8FFFFFFF  }
0x98: {  	s19 =	sld [smem:$0x3FDB];
	_ =	sdelay $0x1  }
0x99: {  	s4 =	simm.s32 $_scs_section_size  }
0x9a: {  	s5 =	simm.s32 $_size__tile_overlayer_lowered;
	s6 =	simm.s32 $_tile_overlayer_lowered  }
0x9b: {  	s22 =	simm.s32 $0x1BFF;
	s21 =	sshll.u32 s6, $0x1;
	s3 =	sadd.s32 s4, s19  }
0x9c: {  	s7 =	simm.s32 $0x0;
	s20 =	sshll.u32 s5, $0x1;
	s5 =	sadd.s32 s21, s3  }
0x9d: {  	[timem:s7], [sflag:s22] =	dma.local [hbm:s5], s20  }
0x9e: {  	_ =	swait.ge [sflag:s22], s20  }
0x9f: {  	s4 =	ssub.s32 $0x0, s20;
	[sflag:s22] =	ssyncset.done $0x0  }
0xa0: {  	[sflag:s22] =	ssyncadd.s32 s4;
	_ =	sdelay $0x1  }
0xa1: {  	s23 =	simm.s32 $0x1B8B  }
0xa2: {  	_ =	swait.ge [sflag:s23], $0x1  }
0xa3: {  	[sflag:s23] =	ssyncset.done $0x0  }
0xa4: {  	s25 =	simm.s32 $0x1B8E;
	s24 =	sld [smem:$0x3FFE];
	[sflag:s23] =	ssyncadd.s32 $0xFFFFFFFF  }
0xa5: {  	s26 =	simm.s32 $execute0_lowered;
	[smem:$0x3FD2] =	sst s25  }
0xa6: {  	s5 =	sshll.u32 s26, $0x1;
	_ =	strace $0x80000049;
	[dreg:$0x1] =	wrdreg $0xFFFFFFFF  }
0xa7: {  	s28 =	simm.s32 $_size_execute0_lowered;
	s3 =	sadd.s32 s3, s5;
	[dreg:$0x0] =	wrdreg $0x0  }
0xa8: {  	s5 =	sshll.u32 s28, $0x1;
	[dreg:$0x2] =	wrdreg s3  }
0xa9: {  	[dreg:$0x3] =	wrdreg s5  }
0xaa: {  	[dreg:$0x4] =	wrdreg $0xC0  }
0xab: {  	_ =	task [dreg:s7], $0x5FFFF  }
0xac: {  	[dreg:$0x1] =	wrdreg $0xFFFFFFFF  }
0xad: {  	[dreg:$0x0] =	wrdreg $0x60  }
0xae: {  	[dreg:$0x2] =	wrdreg s24  }
0xaf: {  	[dreg:$0x3] =	wrdreg s2  }
0xb0: {  	[dreg:$0x4] =	wrdreg $0x9  }
0xb1: {  	_ =	task.clear_ibuf [dreg:s7], $0x5FFFF;
	_ =	strace $0x90000049  }
0xb2: {  	s29 =	simm.s32 $0x9;
	_ =	strace $0x8000004B  }
0xb3: {  	_ =	swait.ge [sflag:s29], $0x1  }
0xb4: {  	[sflag:s29] =	ssyncadd.s32 $0xFFFFFFFF  }
0xb5: {  	_ =	strace $0x9000004B  }
0xb6: {  	_ =	sfence  }
0xb7: {  	s30 =	sld [smem:$0x0];
	_ =	sdelay $0x2  }
0xb8: {  	s31 =	sshll.u32 s1, $0xD;
	s1 =	sshrl.u32 s1, $0x2  }
0xb9: {  	s3 =	sand.u32 $0x4000, s31;
	s1 =	sadd.s32 s1, s30  }
0xba: {  	s0 =	sor.u32 s3, s0;
	s1 =	sshll.u32 s1, $0x11  }
0xbb: {  	s0 =	sor.u32 s1, s0  }
0xbc: {  	s0 =	sadd.s32 $0x8F2B, s0  }
0xbd: {  	[sflag:s0] =	ssyncadd.remote.s32 $0x1  }
0xbe: {  	_ =	sfence.sel $0xFFFF  }
0xbf: {  	[dreg:$0x0] =	wrdreg $0xFFFFFFFF;
	(pc) =	sbr.abs _section_cstart, $3  }
0xc0: {  	[dreg:$0x1] =	wrdreg $0xFFFFFFFF  }
0xc1: {  	_ =	task.clear_ibuf [dreg:s7], $0x2FFFF;
	_ =	strace $0x9FFFFFFF  }
0xc2: {  	(tm) =	ssettm $0x7FFFFFFF  }
0xc3: {  	_ =	shalt  }
tec
execute0_lowered:
.L_overlay_start_1:
0x0: {  	(tag) =	ssettag $0x1  }
0x1: {  	s0 =	rddreg [dreg:$0x0]  }
0x2: {  	s2 =	rddreg [dreg:$0x1];
	s1 =	simm.s32 $0x0  }
0x3: {  	s5 =	srdreg.scid;
	s7 =	stileid.u32;
	s30 =	simm.s32 $0xEA00  }
0x4: {  	s18 =	simm.s32 $0xF200;
	s31 =	simm.s32 $0xFA00;
	s14 =	simm.s32 $0x1  }
0x5: {  	[smem:$0x7FF] =	sst s1;
	s3 =	sadd.s32 $0x100E00, s0;
	s4 =	sadd.s32 $0x800, s0  }
0x6: {  	s5 =	sand.u32 $0x1, s5;
	s6 =	sadd.s32 $0x200, s0;
	s12 =	sadd.s32 $0x600, s0  }
0x7: {  	s7 =	sshll.u32 s7, $0x7;
	s19 =	sadd.s32 $0x100C00, s0;
	s11 =	sadd.s32 $0x101100, s0  }
0x8: {  	_ =	strace $0x8000004A;
	s8 =	sshll.u32 s5, $0x6;
	s5 =	ssub.s32 $0x2, s5  }
0x9: {  	s7 =	sor.u32 s8, s7;
	s9 =	sshrl.u32 s5, $0x1;
	s8 =	simm.s32 $0x200  }
0xa: {  	s10 =	sshrl.u32 s7, $0x3;
	s5 =	ssub.s32 s5, s9;
	s9 =	sadd.s32 $0x100F00, s0  }
0xb: {  	s13 =	sshll.u32 s7, $0x7;
	s7 =	sor.u32 $0x20, s7;
	s20 =	sadd.s32 s6, s10  }
0xc: {  	s21 =	sadd.s32 s0, s10;
	s22 =	sadd.s32 s12, s10;
	[dreg:$0x3] =	wrdreg s20  }
0xd: {  	s23 =	sadd.s32 s19, s10;
	s10 =	sadd.s32 $0x101000, s0;
	[dreg:$0x4] =	wrdreg s21  }
0xe: {  	s13 =	sadd.s32 s2, s13;
	s24 =	sshrl.u32 s7, $0x3;
	[dreg:$0x5] =	wrdreg s22  }
0xf: {  	s25 =	sshll.u32 s7, $0x7;
	s29 =	smax.u32 s5, $0x1;
	[dreg:$0x6] =	wrdreg s23  }
0x10: {  	s5 =	simm.s32 $0x11200;
	s7 =	simm.s32 $0x20;
	[dreg:$0x7] =	wrdreg s13  }
0x11: {  	s6 =	sadd.s32 s6, s24;
	s0 =	sadd.s32 s0, s24;
	s26 =	sadd.s32 s12, s24  }
0x12: {  	s28 =	sadd.s32 s19, s24;
	[dreg:$0xd] =	wrdreg s29;
	s19 =	simm.s32 $0x5  }
0x13: {  	s20 =	simm.s32 $0x80;
	s21 =	simm.s32 $0x100;
	[dreg:$0x8] =	wrdreg s6  }
0x14: {  	s22 =	simm.s32 $0x180;
	s23 =	simm.s32 $0x2200;
	[dreg:$0x9] =	wrdreg s0  }
0x15: {  	s12 =	simm.s32 $0x1200;
	s13 =	simm.s32 $0x3;
	[dreg:$0xa] =	wrdreg s26  }
0x16: {  	v2 =	vlaneseq.u32;
	s24 =	simm.s32 $0x4;
	[dreg:$0xb] =	wrdreg s28;
	s0 =	sadd.s32 s2, s25  }
0x17: {  	vm0 =	vmmov $0xffff;
	v1 =	vshrl.u32 v2, $0x3;
	s2 =	simm.s32 $0x10A00;
	s6 =	simm.s32 $0x11A00;
	s25 =	simm.s32 $0x2  }
0x18: {  	v0 =	vand.u32 $0x7, v2;
	v2 =	vor.u32 $0x8, v2;
	v1 =	vmul.u32 $0x8, v1;
	s26 =	simm.s32 $0x0;
	[dreg:$0xc] =	wrdreg s0;
	s0 =	simm.s32 $0x10200  }
.LBB2_1:
0x19: {  	s15 =	rddreg [dreg:$0x3]  }
0x1a: {  	[tilespmem:s1], [sflag:$0x5] =	stream.linear.gather [hbm4b:s15+s1], $0x20, $0x38;
	[tilespmem:$0x12200] =	vst v63  }
0x1b: {  	_ =	swait.ge [sflag:s19], $0x20  }
0x1c: {  	[sflag:s19] =	ssyncset.done $0x0  }
0x1d: {  	s16 =	rddreg [dreg:$0x4];
	[sflag:s19] =	ssyncadd.s32 $0xFFFFFFE0  }
0x1e: {  	[tilespmem:s20], [sflag:$0x5] =	stream.linear.gather [hbm4b:s16+s1], $0x20, $0x38;
	[tilespmem:$0x12200] =	vst v63  }
0x1f: {  	_ =	swait.ge [sflag:s19], $0x20  }
0x20: {  	[sflag:s19] =	ssyncset.done $0x0  }
0x21: {  	s17 =	rddreg [dreg:$0x5];
	[sflag:s19] =	ssyncadd.s32 $0xFFFFFFE0  }
0x22: {  	[tilespmem:s21], [sflag:$0x5] =	stream.linear.gather [hbm4b:s17+s1], $0x20, $0x38;
	[tilespmem:$0x12200] =	vst v63  }
0x23: {  	_ =	swait.ge [sflag:s19], $0x20  }
0x24: {  	[sflag:s19] =	ssyncset.done $0x0  }
0x25: {  	s29 =	rddreg [dreg:$0x6];
	[sflag:s19] =	ssyncadd.s32 $0xFFFFFFE0  }
0x26: {  	[tilespmem:s22], [sflag:$0x5] =	stream.linear.gather [hbm4b:s29+s1], $0x20, $0x38;
	[tilespmem:$0x12200] =	vst v63  }
0x27: {  	_ =	swait.ge [sflag:s19], $0x20  }
0x28: {  	[sflag:s19] =	ssyncset.done $0x0  }
0x29: {  	[sflag:s19] =	ssyncadd.s32 $0xFFFFFFE0  }
0x2a: {  	v3 =	vld [tilespmem:$0x0];
	_ =	sdelay $0x4  }
0x2b: {  	v4 =	vshll.u32 v3, $0x3  }
0x2c: {  	v3 =	vand.u32 $0x7, v3;
	v4 =	vand.u32 $0xFFFFFFC0, v4  }
0x2d: {  	v3 =	vor.u32 v3, v4  }
0x2e: {  	v4 =	vperm.xlane v3, v0;
	_ =	sdelay $0x1  }
0x2f: {  	v4 =	vadd.s32 v1, v4;
	_ =	sdelay $0x4  }
0x30: {  	[tilespmem:s23], [sflag:$0x1] =	stream.indirect_vreg.gather [hbm4b:s3+s1], $0x80, v4, vm0, $0xb8;
	[tilespmem:$0x12200] =	vst v63  }
0x31: {  	s16 =	simm.s32 $0x2A00;
	v3 =	vperm.xlane v3, v2  }
0x32: {  	[tilespmem:s16], [sflag:$0x1] =	stream.indirect_vreg.gather [hbm4b:s9+s1], $0x80, v4, vm0, $0xb8;
	[tilespmem:$0x12200] =	vst v63  }
0x33: {  	s17 =	simm.s32 $0x3200;
	v3 =	vadd.s32 v1, v3  }
0x34: {  	[tilespmem:s17], [sflag:$0x1] =	stream.indirect_vreg.gather [hbm4b:s10+s1], $0x80, v4, vm0, $0xb8;
	[tilespmem:$0x12200] =	vst v63  }
0x35: {  	s29 =	simm.s32 $0x3A00  }
0x36: {  	[tilespmem:s29], [sflag:$0x1] =	stream.indirect_vreg.gather [hbm4b:s11+s1], $0x80, v4, vm0, $0xb8;
	[tilespmem:$0x12200] =	vst v63  }
0x37: {  	s16 =	simm.s32 $0x4200  }
0x38: {  	[tilespmem:s16], [sflag:$0x1] =	stream.indirect_vreg.gather [hbm4b:s3+s1], $0x80, v3, vm0, $0xb8;
	[tilespmem:$0x12200] =	vst v63  }
0x39: {  	s17 =	simm.s32 $0x4A00  }
0x3a: {  	[tilespmem:s17], [sflag:$0x1] =	stream.indirect_vreg.gather [hbm4b:s9+s1], $0x80, v3, vm0, $0xb8;
	[tilespmem:$0x12200] =	vst v63  }
0x3b: {  	s29 =	simm.s32 $0x5200  }
0x3c: {  	[tilespmem:s29], [sflag:$0x1] =	stream.indirect_vreg.gather [hbm4b:s10+s1], $0x80, v3, vm0, $0xb8;
	[tilespmem:$0x12200] =	vst v63  }
0x3d: {  	s16 =	simm.s32 $0x5A00  }
0x3e: {  	[tilespmem:s16], [sflag:$0x1] =	stream.indirect_vreg.gather [hbm4b:s11+s1], $0x80, v3, vm0, $0xb8;
	[tilespmem:$0x12200] =	vst v63  }
0x3f: {  	v3 =	vld [tilespmem:$0x10];
	_ =	sdelay $0x4  }
0x40: {  	v61 =	vshll.u32 v3, $0x3  }
0x41: {  	v3 =	vand.u32 $0x7, v3;
	v4 =	vand.u32 $0xFFFFFFC0, v61  }
0x42: {  	v3 =	vor.u32 v3, v4  }
0x43: {  	v4 =	vperm.xlane v3, v0;
	_ =	sdelay $0x1  }
0x44: {  	v4 =	vadd.s32 v1, v4;
	_ =	sdelay $0x3  }
0x45: {  	s17 =	simm.s32 $0x6200  }
0x46: {  	[tilespmem:s17], [sflag:$0x1] =	stream.indirect_vreg.gather [hbm4b:s3+s1], $0x80, v4, vm0, $0xb8;
	[tilespmem:$0x12200] =	vst v63  }
0x47: {  	s29 =	simm.s32 $0x6A00;
	v3 =	vperm.xlane v3, v2  }
0x48: {  	[tilespmem:s29], [sflag:$0x1] =	stream.indirect_vreg.gather [hbm4b:s9+s1], $0x80, v4, vm0, $0xb8;
	[tilespmem:$0x12200] =	vst v63  }
0x49: {  	s16 =	simm.s32 $0x7200;
	v3 =	vadd.s32 v1, v3  }
0x4a: {  	[tilespmem:s16], [sflag:$0x1] =	stream.indirect_vreg.gather [hbm4b:s10+s1], $0x80, v4, vm0, $0xb8;
	[tilespmem:$0x12200] =	vst v63  }
0x4b: {  	s17 =	simm.s32 $0x7A00  }
0x4c: {  	[tilespmem:s17], [sflag:$0x1] =	stream.indirect_vreg.gather [hbm4b:s11+s1], $0x80, v4, vm0, $0xb8;
	[tilespmem:$0x12200] =	vst v63  }
0x4d: {  	s29 =	simm.s32 $0x8200  }
0x4e: {  	[tilespmem:s29], [sflag:$0x1] =	stream.indirect_vreg.gather [hbm4b:s3+s1], $0x80, v3, vm0, $0xb8;
	[tilespmem:$0x12200] =	vst v63  }
0x4f: {  	s16 =	simm.s32 $0x8A00  }
0x50: {  	[tilespmem:s16], [sflag:$0x1] =	stream.indirect_vreg.gather [hbm4b:s9+s1], $0x80, v3, vm0, $0xb8;
	[tilespmem:$0x12200] =	vst v63  }
0x51: {  	s17 =	simm.s32 $0x9200  }
0x52: {  	[tilespmem:s17], [sflag:$0x1] =	stream.indirect_vreg.gather [hbm4b:s10+s1], $0x80, v3, vm0, $0xb8;
	[tilespmem:$0x12200] =	vst v63  }
0x53: {  	s29 =	simm.s32 $0x9A00  }
0x54: {  	[tilespmem:s29], [sflag:$0x1] =	stream.indirect_vreg.gather [hbm4b:s11+s1], $0x80, v3, vm0, $0xb8;
	[tilespmem:$0x12200] =	vst v63  }
0x55: {  	v3 =	vld [tilespmem:$0x80];
	_ =	sdelay $0x4  }
0x56: {  	v62 =	vshll.u32 v3, $0x3  }
0x57: {  	v3 =	vand.u32 $0x7, v3;
	v4 =	vand.u32 $0xFFFFFFC0, v62  }
0x58: {  	v3 =	vor.u32 v3, v4  }
0x59: {  	v4 =	vperm.xlane v3, v0;
	_ =	sdelay $0x1  }
0x5a: {  	v4 =	vadd.s32 v1, v4;
	_ =	sdelay $0x3  }
0x5b: {  	s16 =	simm.s32 $0xA200  }
0x5c: {  	[tilespmem:s16], [sflag:$0x2] =	stream.indirect_vreg.gather [hbm4b:s3+s1], $0x80, v4, vm0, $0xb8;
	[tilespmem:$0x12200] =	vst v63  }
0x5d: {  	s17 =	simm.s32 $0xAA00;
	v3 =	vperm.xlane v3, v2  }
0x5e: {  	[tilespmem:s17], [sflag:$0x2] =	stream.indirect_vreg.gather [hbm4b:s9+s1], $0x80, v4, vm0, $0xb8;
	[tilespmem:$0x12200] =	vst v63  }
0x5f: {  	s29 =	simm.s32 $0xB200;
	v3 =	vadd.s32 v1, v3  }
0x60: {  	[tilespmem:s29], [sflag:$0x2] =	stream.indirect_vreg.gather [hbm4b:s10+s1], $0x80, v4, vm0, $0xb8;
	[tilespmem:$0x12200] =	vst v63  }
0x61: {  	s16 =	simm.s32 $0xBA00  }
0x62: {  	[tilespmem:s16], [sflag:$0x2] =	stream.indirect_vreg.gather [hbm4b:s11+s1], $0x80, v4, vm0, $0xb8;
	[tilespmem:$0x12200] =	vst v63  }
0x63: {  	s17 =	simm.s32 $0xC200  }
0x64: {  	[tilespmem:s17], [sflag:$0x2] =	stream.indirect_vreg.gather [hbm4b:s3+s1], $0x80, v3, vm0, $0xb8;
	[tilespmem:$0x12200] =	vst v63  }
0x65: {  	s29 =	simm.s32 $0xCA00  }
0x66: {  	[tilespmem:s29], [sflag:$0x2] =	stream.indirect_vreg.gather [hbm4b:s9+s1], $0x80, v3, vm0, $0xb8;
	[tilespmem:$0x12200] =	vst v63  }
0x67: {  	s16 =	simm.s32 $0xD200  }
0x68: {  	[tilespmem:s16], [sflag:$0x2] =	stream.indirect_vreg.gather [hbm4b:s10+s1], $0x80, v3, vm0, $0xb8;
	[tilespmem:$0x12200] =	vst v63  }
0x69: {  	s17 =	simm.s32 $0xDA00  }
0x6a: {  	[tilespmem:s17], [sflag:$0x2] =	stream.indirect_vreg.gather [hbm4b:s11+s1], $0x80, v3, vm0, $0xb8;
	[tilespmem:$0x12200] =	vst v63  }
0x6b: {  	v3 =	vld [tilespmem:$0x90];
	_ =	sdelay $0x4  }
0x6c: {  	v63 =	vshll.u32 v3, $0x3  }
0x6d: {  	v3 =	vand.u32 $0x7, v3;
	v4 =	vand.u32 $0xFFFFFFC0, v63  }
0x6e: {  	v3 =	vor.u32 v3, v4  }
0x6f: {  	v4 =	vperm.xlane v3, v0;
	_ =	sdelay $0x1  }
0x70: {  	v4 =	vadd.s32 v1, v4;
	_ =	sdelay $0x3  }
0x71: {  	s29 =	simm.s32 $0xE200  }
0x72: {  	[tilespmem:s29], [sflag:$0x2] =	stream.indirect_vreg.gather [hbm4b:s3+s1], $0x80, v4, vm0, $0xb8;
	[tilespmem:$0x12200] =	vst v63  }
0x73: {  	v3 =	vperm.xlane v3, v2  }
0x74: {  	[tilespmem:s30], [sflag:$0x2] =	stream.indirect_vreg.gather [hbm4b:s9+s1], $0x80, v4, vm0, $0xb8;
	[tilespmem:$0x12200] =	vst v63  }
0x75: {  	v3 =	vadd.s32 v1, v3  }
0x76: {  	[tilespmem:s18], [sflag:$0x2] =	stream.indirect_vreg.gather [hbm4b:s10+s1], $0x80, v4, vm0, $0xb8;
	[tilespmem:$0x12200] =	vst v63  }
0x77: {  	_ = 	snop  }
0x78: {  	[tilespmem:s31], [sflag:$0x2] =	stream.indirect_vreg.gather [hbm4b:s11+s1], $0x80, v4, vm0, $0xb8;
	[tilespmem:$0x12200] =	vst v63  }
0x79: {  	_ = 	snop  }
0x7a: {  	[tilespmem:s0], [sflag:$0x2] =	stream.indirect_vreg.gather [hbm4b:s3+s1], $0x80, v3, vm0, $0xb8;
	[tilespmem:$0x12200] =	vst v63  }
0x7b: {  	_ = 	snop  }
0x7c: {  	[tilespmem:s2], [sflag:$0x2] =	stream.indirect_vreg.gather [hbm4b:s9+s1], $0x80, v3, vm0, $0xb8;
	[tilespmem:$0x12200] =	vst v63  }
0x7d: {  	_ = 	snop  }
0x7e: {  	[tilespmem:s5], [sflag:$0x2] =	stream.indirect_vreg.gather [hbm4b:s10+s1], $0x80, v3, vm0, $0xb8;
	[tilespmem:$0x12200] =	vst v63  }
0x7f: {  	_ = 	snop  }
0x80: {  	[tilespmem:s6], [sflag:$0x2] =	stream.indirect_vreg.gather [hbm4b:s11+s1], $0x80, v3, vm0, $0xb8;
	[tilespmem:$0x12200] =	vst v63  }
0x81: {  	_ = 	snop  }
0x82: {  	[tilespmem:s8], [sflag:$0x3] =	stream.indirect.gather [hbm4b:s4+s7], $0x80, s1, s7, $0xb8;
	[tilespmem:$0x12200] =	vst v63  }
0x83: {  	_ = 	snop  }
0x84: {  	[tilespmem:s12], [sflag:$0x4] =	stream.indirect.gather [hbm4b:s4+s7], $0x80, s20, s7, $0xb8;
	[tilespmem:$0x12200] =	vst v63  }
0x85: {  	_ =	swait.ge [sflag:s13], $0x1000  }
0x86: {  	[sflag:s13] =	ssyncset.done $0x0  }
0x87: {  	[sflag:s13] =	ssyncadd.s32 $0xFFFFF000  }
0x88: {  	_ =	swait.ge [sflag:s24], $0x1000  }
0x89: {  	[sflag:s24] =	ssyncset.done $0x0  }
0x8a: {  	[sflag:s24] =	ssyncadd.s32 $0xFFFFF000  }
0x8b: {  	_ =	swait.ge [sflag:s14], $0x8000  }
0x8c: {  	[sflag:s14] =	ssyncset.done $0x0  }
0x8d: {  	[sflag:s14] =	ssyncadd.s32 $0xFFFF8000  }
0x8e: {  	_ =	swait.ge [sflag:s25], $0x8000  }
0x8f: {  	[sflag:s25] =	ssyncset.done $0x0  }
0x90: {  	s28 =	simm.s32 $0x0;
	s15 =	simm.s32 $0x0;
	[sflag:s25] =	ssyncadd.s32 $0xFFFF8000  }
.LBB2_2:
0x91: {  	s16 =	sshll.u32 s28, $0xC;
	s29 =	sand.u32 $0x7, s15  }
0x92: {  	v5 =	vmov s28;
	s16 =	sand.u32 $0xFFFF8000, s16;
	s29 =	sshll.u32 s29, $0x9  }
0x93: {  	s16 =	sor.u32 s29, s16  }
0x94: {  	s16 =	sshrl.u32 s16, $0x2  }
0x95: {  	s29 =	sadd.s32 $0x2240, s16  }
0x96: {  	s16 =	sadd.s32 $0xA270, s16;
	v3 =	vmov s29  }
0x97: {  	v6 =	vld.idx.msk [tilespmem:v5+s21+$0x0], $0xffff;
	v4 =	vmov s16  }
0x98: {  	s29 =	sshll.u32 s28, $0x7;
	v8 =	vld.idx.msk [tilespmem:v5+s22+$0x0], $0xffff  }
0x99: {  	v7 =	vld [tilespmem:s29+$0x200]  }
0x9a: {  	s16 =	simm.s32 $0x0;
	v9 =	vld [tilespmem:s29+$0x1200]  }
0x9b: {  	v10 =	vld.idx.msk [tilespmem:v3+s16+$0xFFFFFFC0 ss:$0x1], $0xffff  }
0x9c: {  	v11 =	vld.idx.msk [tilespmem:v4+s16+$0xFFFFFF90 ss:$0x1], $0xffff;
	_ =	sdelay $0x2  }
0x9d: {  	v5 =	vmul.f32 v7, v6;
	v6 =	vmul.f32 v9, v8;
	_ =	sdelay $0x1  }
0x9e: {  	v7 =	vmul.f32 v10, v5;
	v8 =	vmul.f32 v11, v6;
	_ =	sdelay $0x1  }
0x9f: {  	v7 =	vadd.f32 v8, v7;
	_ =	sdelay $0x1  }
0xa0: {  	[tilespmem:v3+s16+$0xFFFFFFC0 ss:$0x1] =	vst.idx.msk $0xffff, v7  }
0xa1: {  	v7 =	vld.idx.msk [tilespmem:v3+s16+$0xFFFFFFD0 ss:$0x1], $0xffff  }
0xa2: {  	v8 =	vld.idx.msk [tilespmem:v4+s16+$0xFFFFFFA0 ss:$0x1], $0xffff;
	_ =	sdelay $0x4  }
0xa3: {  	v7 =	vmul.f32 v7, v5;
	v8 =	vmul.f32 v8, v6;
	_ =	sdelay $0x1  }
0xa4: {  	v7 =	vadd.f32 v8, v7;
	_ =	sdelay $0x1  }
0xa5: {  	[tilespmem:v3+s16+$0xFFFFFFD0 ss:$0x1] =	vst.idx.msk $0xffff, v7  }
0xa6: {  	v7 =	vld.idx.msk [tilespmem:v3+s16+$0xFFFFFFE0 ss:$0x1], $0xffff  }
0xa7: {  	v8 =	vld.idx.msk [tilespmem:v4+s16+$0xFFFFFFB0 ss:$0x1], $0xffff;
	_ =	sdelay $0x4  }
0xa8: {  	v7 =	vmul.f32 v7, v5;
	v8 =	vmul.f32 v8, v6;
	_ =	sdelay $0x1  }
0xa9: {  	v7 =	vadd.f32 v8, v7;
	_ =	sdelay $0x1  }
0xaa: {  	[tilespmem:v3+s16+$0xFFFFFFE0 ss:$0x1] =	vst.idx.msk $0xffff, v7  }
0xab: {  	v7 =	vld.idx.msk [tilespmem:v3+s16+$0xFFFFFFF0 ss:$0x1], $0xffff  }
0xac: {  	v8 =	vld.idx.msk [tilespmem:v4+s16+$0xFFFFFFC0 ss:$0x1], $0xffff;
	_ =	sdelay $0x4  }
0xad: {  	v7 =	vmul.f32 v7, v5;
	v8 =	vmul.f32 v8, v6;
	_ =	sdelay $0x1  }
0xae: {  	v7 =	vadd.f32 v8, v7;
	_ =	sdelay $0x1  }
0xaf: {  	[tilespmem:v3+s16+$0xFFFFFFF0 ss:$0x1] =	vst.idx.msk $0xffff, v7  }
0xb0: {  	v7 =	vld.idx.msk [tilespmem:v3+s16+$0x0 ss:$0x1], $0xffff  }
0xb1: {  	v8 =	vld.idx.msk [tilespmem:v4+s16+$0xFFFFFFD0 ss:$0x1], $0xffff;
	_ =	sdelay $0x4  }
0xb2: {  	v7 =	vmul.f32 v7, v5;
	v8 =	vmul.f32 v8, v6;
	_ =	sdelay $0x1  }
0xb3: {  	v7 =	vadd.f32 v8, v7;
	_ =	sdelay $0x1  }
0xb4: {  	[tilespmem:v3+s16+$0x0 ss:$0x1] =	vst.idx.msk $0xffff, v7  }
0xb5: {  	v7 =	vld.idx.msk [tilespmem:v3+s16+$0x10 ss:$0x1], $0xffff  }
0xb6: {  	v8 =	vld.idx.msk [tilespmem:v4+s16+$0xFFFFFFE0 ss:$0x1], $0xffff;
	_ =	sdelay $0x4  }
0xb7: {  	v7 =	vmul.f32 v7, v5;
	v8 =	vmul.f32 v8, v6;
	_ =	sdelay $0x1  }
0xb8: {  	v7 =	vadd.f32 v8, v7;
	_ =	sdelay $0x1  }
0xb9: {  	[tilespmem:v3+s16+$0x10 ss:$0x1] =	vst.idx.msk $0xffff, v7  }
0xba: {  	v7 =	vld.idx.msk [tilespmem:v3+s16+$0x20 ss:$0x1], $0xffff  }
0xbb: {  	v8 =	vld.idx.msk [tilespmem:v4+s16+$0xFFFFFFF0 ss:$0x1], $0xffff;
	_ =	sdelay $0x4  }
0xbc: {  	v7 =	vmul.f32 v7, v5;
	v8 =	vmul.f32 v8, v6;
	_ =	sdelay $0x1  }
0xbd: {  	v7 =	vadd.f32 v8, v7;
	_ =	sdelay $0x1  }
0xbe: {  	[tilespmem:v3+s16+$0x20 ss:$0x1] =	vst.idx.msk $0xffff, v7  }
0xbf: {  	v7 =	vld.idx.msk [tilespmem:v3+s16+$0x30 ss:$0x1], $0xffff  }
0xc0: {  	s29 =	simm.s32 $0x1000;
	v8 =	vld.idx.msk [tilespmem:v4+s16+$0x0 ss:$0x1], $0xffff  }
.LBB2_3:
0xc1: {  	p0 =	sne.s32 s29, $0x7000;
	s17 =	smov.u32 s29;
	s29 =	sadd.s32 $0x1000, s29  }
0xc2: {  	_ =	sdelay $0x1  }
0xc3: {  	v7 =	vmul.f32 v7, v5  }
0xc4: {  	v8 =	vmul.f32 v8, v6;
	_ =	sdelay $0x1  }
0xc5: {  	v7 =	vadd.f32 v8, v7  }
0xc6: {  	s17 =	sshra.s32 s17, $0x2  }
0xc7: {  	v8 =	vld.idx.msk [tilespmem:v3+s17+$0xFFFFFFC0 ss:$0x1], $0xffff;
	[tilespmem:v3+s16+$0x30 ss:$0x1] =	vst.idx.msk $0xffff, v7;
	s16 =	smov.u32 s17  }
0xc8: {  	v7 =	vld.idx.msk [tilespmem:v4+s16+$0xFFFFFF90 ss:$0x1], $0xffff;
	_ =	sdelay $0x4  }
0xc9: {  	v8 =	vmul.f32 v8, v5  }
0xca: {  	v7 =	vmul.f32 v7, v6;
	_ =	sdelay $0x1  }
0xcb: {  	v7 =	vadd.f32 v7, v8;
	_ =	sdelay $0x1  }
0xcc: {  	[tilespmem:v3+s16+$0xFFFFFFC0 ss:$0x1] =	vst.idx.msk $0xffff, v7  }
0xcd: {  	v7 =	vld.idx.msk [tilespmem:v3+s16+$0xFFFFFFD0 ss:$0x1], $0xffff  }
0xce: {  	v8 =	vld.idx.msk [tilespmem:v4+s16+$0xFFFFFFA0 ss:$0x1], $0xffff;
	_ =	sdelay $0x4  }
0xcf: {  	v7 =	vmul.f32 v7, v5  }
0xd0: {  	v8 =	vmul.f32 v8, v6;
	_ =	sdelay $0x1  }
0xd1: {  	v7 =	vadd.f32 v8, v7;
	_ =	sdelay $0x1  }
0xd2: {  	[tilespmem:v3+s16+$0xFFFFFFD0 ss:$0x1] =	vst.idx.msk $0xffff, v7  }
0xd3: {  	v7 =	vld.idx.msk [tilespmem:v3+s16+$0xFFFFFFE0 ss:$0x1], $0xffff  }
0xd4: {  	v8 =	vld.idx.msk [tilespmem:v4+s16+$0xFFFFFFB0 ss:$0x1], $0xffff;
	_ =	sdelay $0x4  }
0xd5: {  	v7 =	vmul.f32 v7, v5  }
0xd6: {  	v8 =	vmul.f32 v8, v6;
	_ =	sdelay $0x1  }
0xd7: {  	v7 =	vadd.f32 v8, v7;
	_ =	sdelay $0x1  }
0xd8: {  	[tilespmem:v3+s16+$0xFFFFFFE0 ss:$0x1] =	vst.idx.msk $0xffff, v7  }
0xd9: {  	v7 =	vld.idx.msk [tilespmem:v3+s16+$0xFFFFFFF0 ss:$0x1], $0xffff  }
0xda: {  	v8 =	vld.idx.msk [tilespmem:v4+s16+$0xFFFFFFC0 ss:$0x1], $0xffff;
	_ =	sdelay $0x4  }
0xdb: {  	v7 =	vmul.f32 v7, v5  }
0xdc: {  	v8 =	vmul.f32 v8, v6;
	_ =	sdelay $0x1  }
0xdd: {  	v7 =	vadd.f32 v8, v7;
	_ =	sdelay $0x1  }
0xde: {  	[tilespmem:v3+s16+$0xFFFFFFF0 ss:$0x1] =	vst.idx.msk $0xffff, v7  }
0xdf: {  	v7 =	vld.idx.msk [tilespmem:v3+s16+$0x0 ss:$0x1], $0xffff  }
0xe0: {  	v8 =	vld.idx.msk [tilespmem:v4+s16+$0xFFFFFFD0 ss:$0x1], $0xffff;
	_ =	sdelay $0x4  }
0xe1: {  	v7 =	vmul.f32 v7, v5  }
0xe2: {  	v8 =	vmul.f32 v8, v6;
	_ =	sdelay $0x1  }
0xe3: {  	v7 =	vadd.f32 v8, v7;
	_ =	sdelay $0x1  }
0xe4: {  	[tilespmem:v3+s16+$0x0 ss:$0x1] =	vst.idx.msk $0xffff, v7  }
0xe5: {  	v7 =	vld.idx.msk [tilespmem:v3+s16+$0x10 ss:$0x1], $0xffff  }
0xe6: {  	v8 =	vld.idx.msk [tilespmem:v4+s16+$0xFFFFFFE0 ss:$0x1], $0xffff;
	_ =	sdelay $0x4  }
0xe7: {  	v7 =	vmul.f32 v7, v5  }
0xe8: {  	v8 =	vmul.f32 v8, v6;
	_ =	sdelay $0x1  }
0xe9: {  	v7 =	vadd.f32 v8, v7;
	_ =	sdelay $0x1  }
0xea: {  	[tilespmem:v3+s16+$0x10 ss:$0x1] =	vst.idx.msk $0xffff, v7  }
0xeb: {  	v7 =	vld.idx.msk [tilespmem:v3+s16+$0x20 ss:$0x1], $0xffff  }
0xec: {  	v8 =	vld.idx.msk [tilespmem:v4+s16+$0xFFFFFFF0 ss:$0x1], $0xffff;
	_ =	sdelay $0x4  }
0xed: {  	v7 =	vmul.f32 v7, v5  }
0xee: {  	v8 =	vmul.f32 v8, v6;
	_ =	sdelay $0x1  }
.Ltmp0:
0xef: {  	v7 =	vadd.f32 v8, v7;
	(pc) =	sbr.rel @p0 .LBB2_3-.Ltmp0, $4  }
0xf0: {  	_ = 	snop  }
0xf1: {  	[tilespmem:v3+s16+$0x20 ss:$0x1] =	vst.idx.msk $0xffff, v7  }
0xf2: {  	v7 =	vld.idx.msk [tilespmem:v3+s16+$0x30 ss:$0x1], $0xffff  }
0xf3: {  	v8 =	vld.idx.msk [tilespmem:v4+s16+$0x0 ss:$0x1], $0xffff  }
0xf4: {  	_ =	sdelay $0x1  }
0xf5: {  	s28 =	sadd.s32 $0x1, s28  }
0xf6: {  	p0 =	sne.s32 s28, $0x20  }
.Ltmp1:
0xf7: {  	v4 =	vmul.f32 v7, v5;
	v63 =	vmul.f32 v8, v6;
	(pc) =	sbr.rel @p0 .LBB2_2-.Ltmp1, $3  }
0xf8: {  	_ = 	snop  }
0xf9: {  	v4 =	vadd.f32 v63, v4;
	_ =	sdelay $0x1  }
0xfa: {  	s15 =	sadd.s32 $0x1, s15;
	[tilespmem:v3+s16+$0x30 ss:$0x1] =	vst.idx.msk $0xffff, v4  }
0xfb: {  	s15 =	simm.s32 $0x0;
	s16 =	rddreg [dreg:$0x7]  }
0xfc: {  	[hbm4b:s16+s15] =	stream.linear.scatter [tilespmem:s23], [sflag:$0x5], $0x8000, $0x38;
	[tilespmem:$0x12200] =	vst v63  }
0xfd: {  	_ =	swait.ge [sflag:s19], $0x8000  }
0xfe: {  	[sflag:s19] =	ssyncset.done $0x0  }
0xff: {  	s17 =	rddreg [dreg:$0x8];
	[sflag:s19] =	ssyncadd.s32 $0xFFFF8000  }
0x100: {  	[tilespmem:s15], [sflag:$0x5] =	stream.linear.gather [hbm4b:s17+s15], $0x20, $0x38;
	[tilespmem:$0x12200] =	vst v63  }
0x101: {  	_ =	swait.ge [sflag:s19], $0x20  }
0x102: {  	[sflag:s19] =	ssyncset.done $0x0  }
0x103: {  	s29 =	rddreg [dreg:$0x9];
	[sflag:s19] =	ssyncadd.s32 $0xFFFFFFE0  }
0x104: {  	[tilespmem:s20], [sflag:$0x5] =	stream.linear.gather [hbm4b:s29+s15], $0x20, $0x38;
	[tilespmem:$0x12200] =	vst v63  }
0x105: {  	_ =	swait.ge [sflag:s19], $0x20  }
0x106: {  	[sflag:s19] =	ssyncset.done $0x0  }
0x107: {  	s17 =	rddreg [dreg:$0xa];
	[sflag:s19] =	ssyncadd.s32 $0xFFFFFFE0  }
0x108: {  	[tilespmem:s21], [sflag:$0x5] =	stream.linear.gather [hbm4b:s17+s15], $0x20, $0x38;
	[tilespmem:$0x12200] =	vst v63  }
0x109: {  	_ =	swait.ge [sflag:s19], $0x20  }
0x10a: {  	[sflag:s19] =	ssyncset.done $0x0  }
0x10b: {  	s29 =	rddreg [dreg:$0xb];
	[sflag:s19] =	ssyncadd.s32 $0xFFFFFFE0  }
0x10c: {  	[tilespmem:s22], [sflag:$0x5] =	stream.linear.gather [hbm4b:s29+s15], $0x20, $0x38;
	[tilespmem:$0x12200] =	vst v63  }
0x10d: {  	_ =	swait.ge [sflag:s19], $0x20  }
0x10e: {  	[sflag:s19] =	ssyncset.done $0x0  }
0x10f: {  	[sflag:s19] =	ssyncadd.s32 $0xFFFFFFE0  }
0x110: {  	v3 =	vld [tilespmem:$0x0];
	_ =	sdelay $0x4  }
0x111: {  	v4 =	vshll.u32 v3, $0x3  }
0x112: {  	v3 =	vand.u32 $0x7, v3;
	v4 =	vand.u32 $0xFFFFFFC0, v4  }
0x113: {  	v3 =	vor.u32 v3, v4  }
0x114: {  	v4 =	vperm.xlane v3, v0;
	_ =	sdelay $0x1  }
0x115: {  	v4 =	vadd.s32 v1, v4;
	_ =	sdelay $0x4  }
0x116: {  	[tilespmem:s23], [sflag:$0x1] =	stream.indirect_vreg.gather [hbm4b:s3+s15], $0x80, v4, vm0, $0xb8;
	[tilespmem:$0x12200] =	vst v63  }
0x117: {  	s17 =	simm.s32 $0x2A00;
	v3 =	vperm.xlane v3, v2  }
0x118: {  	[tilespmem:s17], [sflag:$0x1] =	stream.indirect_vreg.gather [hbm4b:s9+s15], $0x80, v4, vm0, $0xb8;
	[tilespmem:$0x12200] =	vst v63  }
0x119: {  	s29 =	simm.s32 $0x3200;
	v3 =	vadd.s32 v1, v3  }
0x11a: {  	[tilespmem:s29], [sflag:$0x1] =	stream.indirect_vreg.gather [hbm4b:s10+s15], $0x80, v4, vm0, $0xb8;
	[tilespmem:$0x12200] =	vst v63  }
0x11b: {  	s17 =	simm.s32 $0x3A00  }
0x11c: {  	[tilespmem:s17], [sflag:$0x1] =	stream.indirect_vreg.gather [hbm4b:s11+s15], $0x80, v4, vm0, $0xb8;
	[tilespmem:$0x12200] =	vst v63  }
0x11d: {  	s29 =	simm.s32 $0x4200  }
0x11e: {  	[tilespmem:s29], [sflag:$0x1] =	stream.indirect_vreg.gather [hbm4b:s3+s15], $0x80, v3, vm0, $0xb8;
	[tilespmem:$0x12200] =	vst v63  }
0x11f: {  	s17 =	simm.s32 $0x4A00  }
0x120: {  	[tilespmem:s17], [sflag:$0x1] =	stream.indirect_vreg.gather [hbm4b:s9+s15], $0x80, v3, vm0, $0xb8;
	[tilespmem:$0x12200] =	vst v63  }
0x121: {  	s29 =	simm.s32 $0x5200  }
0x122: {  	[tilespmem:s29], [sflag:$0x1] =	stream.indirect_vreg.gather [hbm4b:s10+s15], $0x80, v3, vm0, $0xb8;
	[tilespmem:$0x12200] =	vst v63  }
0x123: {  	s17 =	simm.s32 $0x5A00  }
0x124: {  	[tilespmem:s17], [sflag:$0x1] =	stream.indirect_vreg.gather [hbm4b:s11+s15], $0x80, v3, vm0, $0xb8;
	[tilespmem:$0x12200] =	vst v63  }
0x125: {  	v3 =	vld [tilespmem:$0x10];
	_ =	sdelay $0x4  }
0x126: {  	v61 =	vshll.u32 v3, $0x3  }
0x127: {  	v3 =	vand.u32 $0x7, v3;
	v4 =	vand.u32 $0xFFFFFFC0, v61  }
0x128: {  	v3 =	vor.u32 v3, v4  }
0x129: {  	v4 =	vperm.xlane v3, v0;
	_ =	sdelay $0x1  }
0x12a: {  	v4 =	vadd.s32 v1, v4;
	_ =	sdelay $0x3  }
0x12b: {  	s29 =	simm.s32 $0x6200  }
0x12c: {  	[tilespmem:s29], [sflag:$0x1] =	stream.indirect_vreg.gather [hbm4b:s3+s15], $0x80, v4, vm0, $0xb8;
	[tilespmem:$0x12200] =	vst v63  }
0x12d: {  	s17 =	simm.s32 $0x6A00;
	v3 =	vperm.xlane v3, v2  }
0x12e: {  	[tilespmem:s17], [sflag:$0x1] =	stream.indirect_vreg.gather [hbm4b:s9+s15], $0x80, v4, vm0, $0xb8;
	[tilespmem:$0x12200] =	vst v63  }
0x12f: {  	v3 =	vadd.s32 v1, v3;
	s29 =	simm.s32 $0x7200  }
0x130: {  	[tilespmem:s29], [sflag:$0x1] =	stream.indirect_vreg.gather [hbm4b:s10+s15], $0x80, v4, vm0, $0xb8;
	[tilespmem:$0x12200] =	vst v63  }
0x131: {  	s17 =	simm.s32 $0x7A00  }
0x132: {  	[tilespmem:s17], [sflag:$0x1] =	stream.indirect_vreg.gather [hbm4b:s11+s15], $0x80, v4, vm0, $0xb8;
	[tilespmem:$0x12200] =	vst v63  }
0x133: {  	s29 =	simm.s32 $0x8200  }
0x134: {  	[tilespmem:s29], [sflag:$0x1] =	stream.indirect_vreg.gather [hbm4b:s3+s15], $0x80, v3, vm0, $0xb8;
	[tilespmem:$0x12200] =	vst v63  }
0x135: {  	s17 =	simm.s32 $0x8A00  }
0x136: {  	[tilespmem:s17], [sflag:$0x1] =	stream.indirect_vreg.gather [hbm4b:s9+s15], $0x80, v3, vm0, $0xb8;
	[tilespmem:$0x12200] =	vst v63  }
0x137: {  	s29 =	simm.s32 $0x9200  }
0x138: {  	[tilespmem:s29], [sflag:$0x1] =	stream.indirect_vreg.gather [hbm4b:s10+s15], $0x80, v3, vm0, $0xb8;
	[tilespmem:$0x12200] =	vst v63  }
0x139: {  	s17 =	simm.s32 $0x9A00  }
0x13a: {  	[tilespmem:s17], [sflag:$0x1] =	stream.indirect_vreg.gather [hbm4b:s11+s15], $0x80, v3, vm0, $0xb8;
	[tilespmem:$0x12200] =	vst v63  }
0x13b: {  	v3 =	vld [tilespmem:$0x80];
	_ =	sdelay $0x4  }
0x13c: {  	v62 =	vshll.u32 v3, $0x3  }
0x13d: {  	v3 =	vand.u32 $0x7, v3;
	v4 =	vand.u32 $0xFFFFFFC0, v62  }
0x13e: {  	v3 =	vor.u32 v3, v4  }
0x13f: {  	v4 =	vperm.xlane v3, v0;
	_ =	sdelay $0x1  }
0x140: {  	v4 =	vadd.s32 v1, v4;
	_ =	sdelay $0x3  }
0x141: {  	s29 =	simm.s32 $0xA200  }
0x142: {  	[tilespmem:s29], [sflag:$0x2] =	stream.indirect_vreg.gather [hbm4b:s3+s15], $0x80, v4, vm0, $0xb8;
	[tilespmem:$0x12200] =	vst v63  }
0x143: {  	s17 =	simm.s32 $0xAA00;
	v3 =	vperm.xlane v3, v2  }
0x144: {  	[tilespmem:s17], [sflag:$0x2] =	stream.indirect_vreg.gather [hbm4b:s9+s15], $0x80, v4, vm0, $0xb8;
	[tilespmem:$0x12200] =	vst v63  }
0x145: {  	v3 =	vadd.s32 v1, v3;
	s29 =	simm.s32 $0xB200  }
0x146: {  	[tilespmem:s29], [sflag:$0x2] =	stream.indirect_vreg.gather [hbm4b:s10+s15], $0x80, v4, vm0, $0xb8;
	[tilespmem:$0x12200] =	vst v63  }
0x147: {  	s17 =	simm.s32 $0xBA00  }
0x148: {  	[tilespmem:s17], [sflag:$0x2] =	stream.indirect_vreg.gather [hbm4b:s11+s15], $0x80, v4, vm0, $0xb8;
	[tilespmem:$0x12200] =	vst v63  }
0x149: {  	s29 =	simm.s32 $0xC200  }
0x14a: {  	[tilespmem:s29], [sflag:$0x2] =	stream.indirect_vreg.gather [hbm4b:s3+s15], $0x80, v3, vm0, $0xb8;
	[tilespmem:$0x12200] =	vst v63  }
0x14b: {  	s17 =	simm.s32 $0xCA00  }
0x14c: {  	[tilespmem:s17], [sflag:$0x2] =	stream.indirect_vreg.gather [hbm4b:s9+s15], $0x80, v3, vm0, $0xb8;
	[tilespmem:$0x12200] =	vst v63  }
0x14d: {  	s29 =	simm.s32 $0xD200  }
0x14e: {  	[tilespmem:s29], [sflag:$0x2] =	stream.indirect_vreg.gather [hbm4b:s10+s15], $0x80, v3, vm0, $0xb8;
	[tilespmem:$0x12200] =	vst v63  }
0x14f: {  	s17 =	simm.s32 $0xDA00  }
0x150: {  	[tilespmem:s17], [sflag:$0x2] =	stream.indirect_vreg.gather [hbm4b:s11+s15], $0x80, v3, vm0, $0xb8;
	[tilespmem:$0x12200] =	vst v63  }
0x151: {  	v3 =	vld [tilespmem:$0x90];
	_ =	sdelay $0x4  }
0x152: {  	v63 =	vshll.u32 v3, $0x3  }
0x153: {  	v3 =	vand.u32 $0x7, v3;
	v4 =	vand.u32 $0xFFFFFFC0, v63  }
0x154: {  	v3 =	vor.u32 v3, v4  }
0x155: {  	v4 =	vperm.xlane v3, v0;
	_ =	sdelay $0x1  }
0x156: {  	v4 =	vadd.s32 v1, v4;
	_ =	sdelay $0x3  }
0x157: {  	s29 =	simm.s32 $0xE200  }
0x158: {  	[tilespmem:s29], [sflag:$0x2] =	stream.indirect_vreg.gather [hbm4b:s3+s15], $0x80, v4, vm0, $0xb8;
	[tilespmem:$0x12200] =	vst v63  }
0x159: {  	v3 =	vperm.xlane v3, v2  }
0x15a: {  	[tilespmem:s30], [sflag:$0x2] =	stream.indirect_vreg.gather [hbm4b:s9+s15], $0x80, v4, vm0, $0xb8;
	[tilespmem:$0x12200] =	vst v63  }
0x15b: {  	v3 =	vadd.s32 v1, v3  }
0x15c: {  	[tilespmem:s18], [sflag:$0x2] =	stream.indirect_vreg.gather [hbm4b:s10+s15], $0x80, v4, vm0, $0xb8;
	[tilespmem:$0x12200] =	vst v63  }
0x15d: {  	_ = 	snop  }
0x15e: {  	[tilespmem:s31], [sflag:$0x2] =	stream.indirect_vreg.gather [hbm4b:s11+s15], $0x80, v4, vm0, $0xb8;
	[tilespmem:$0x12200] =	vst v63  }
0x15f: {  	_ = 	snop  }
0x160: {  	[tilespmem:s0], [sflag:$0x2] =	stream.indirect_vreg.gather [hbm4b:s3+s15], $0x80, v3, vm0, $0xb8;
	[tilespmem:$0x12200] =	vst v63  }
0x161: {  	_ = 	snop  }
0x162: {  	[tilespmem:s2], [sflag:$0x2] =	stream.indirect_vreg.gather [hbm4b:s9+s15], $0x80, v3, vm0, $0xb8;
	[tilespmem:$0x12200] =	vst v63  }
0x163: {  	_ = 	snop  }
0x164: {  	[tilespmem:s5], [sflag:$0x2] =	stream.indirect_vreg.gather [hbm4b:s10+s15], $0x80, v3, vm0, $0xb8;
	[tilespmem:$0x12200] =	vst v63  }
0x165: {  	_ = 	snop  }
0x166: {  	[tilespmem:s6], [sflag:$0x2] =	stream.indirect_vreg.gather [hbm4b:s11+s15], $0x80, v3, vm0, $0xb8;
	[tilespmem:$0x12200] =	vst v63  }
0x167: {  	_ = 	snop  }
0x168: {  	[tilespmem:s8], [sflag:$0x3] =	stream.indirect.gather [hbm4b:s4+s7], $0x80, s15, s7, $0xb8;
	[tilespmem:$0x12200] =	vst v63  }
0x169: {  	_ = 	snop  }
0x16a: {  	[tilespmem:s12], [sflag:$0x4] =	stream.indirect.gather [hbm4b:s4+s7], $0x80, s20, s7, $0xb8;
	[tilespmem:$0x12200] =	vst v63  }
0x16b: {  	_ =	swait.ge [sflag:s13], $0x1000  }
0x16c: {  	[sflag:s13] =	ssyncset.done $0x0  }
0x16d: {  	[sflag:s13] =	ssyncadd.s32 $0xFFFFF000  }
0x16e: {  	_ =	swait.ge [sflag:s24], $0x1000  }
0x16f: {  	[sflag:s24] =	ssyncset.done $0x0  }
0x170: {  	[sflag:s24] =	ssyncadd.s32 $0xFFFFF000  }
0x171: {  	_ =	swait.ge [sflag:s14], $0x8000  }
0x172: {  	[sflag:s14] =	ssyncset.done $0x0  }
0x173: {  	[sflag:s14] =	ssyncadd.s32 $0xFFFF8000  }
0x174: {  	_ =	swait.ge [sflag:s25], $0x8000  }
0x175: {  	[sflag:s25] =	ssyncset.done $0x0  }
0x176: {  	s28 =	simm.s32 $0x0;
	[sflag:s25] =	ssyncadd.s32 $0xFFFF8000  }
.LBB2_6:
0x177: {  	s16 =	sshll.u32 s28, $0xC;
	s17 =	sand.u32 $0x7, s15  }
0x178: {  	v5 =	vmov s28;
	s16 =	sand.u32 $0xFFFF8000, s16;
	s17 =	sshll.u32 s17, $0x9  }
0x179: {  	s16 =	sor.u32 s17, s16  }
0x17a: {  	s16 =	sshrl.u32 s16, $0x2  }
0x17b: {  	s17 =	sadd.s32 $0x2240, s16  }
0x17c: {  	s16 =	sadd.s32 $0xA270, s16;
	v3 =	vmov s17  }
0x17d: {  	v6 =	vld.idx.msk [tilespmem:v5+s21+$0x0], $0xffff;
	v4 =	vmov s16  }
0x17e: {  	s17 =	sshll.u32 s28, $0x7;
	v8 =	vld.idx.msk [tilespmem:v5+s22+$0x0], $0xffff  }
0x17f: {  	v7 =	vld [tilespmem:s17+$0x200]  }
0x180: {  	s16 =	simm.s32 $0x0;
	v9 =	vld [tilespmem:s17+$0x1200]  }
0x181: {  	v10 =	vld.idx.msk [tilespmem:v3+s16+$0xFFFFFFC0 ss:$0x1], $0xffff  }
0x182: {  	v11 =	vld.idx.msk [tilespmem:v4+s16+$0xFFFFFF90 ss:$0x1], $0xffff;
	_ =	sdelay $0x2  }
0x183: {  	v5 =	vmul.f32 v7, v6;
	v6 =	vmul.f32 v9, v8;
	_ =	sdelay $0x1  }
0x184: {  	v7 =	vmul.f32 v10, v5;
	v8 =	vmul.f32 v11, v6;
	_ =	sdelay $0x1  }
0x185: {  	v7 =	vadd.f32 v8, v7;
	_ =	sdelay $0x1  }
0x186: {  	[tilespmem:v3+s16+$0xFFFFFFC0 ss:$0x1] =	vst.idx.msk $0xffff, v7  }
0x187: {  	v7 =	vld.idx.msk [tilespmem:v3+s16+$0xFFFFFFD0 ss:$0x1], $0xffff  }
0x188: {  	v8 =	vld.idx.msk [tilespmem:v4+s16+$0xFFFFFFA0 ss:$0x1], $0xffff;
	_ =	sdelay $0x4  }
0x189: {  	v7 =	vmul.f32 v7, v5;
	v8 =	vmul.f32 v8, v6;
	_ =	sdelay $0x1  }
0x18a: {  	v7 =	vadd.f32 v8, v7;
	_ =	sdelay $0x1  }
0x18b: {  	[tilespmem:v3+s16+$0xFFFFFFD0 ss:$0x1] =	vst.idx.msk $0xffff, v7  }
0x18c: {  	v7 =	vld.idx.msk [tilespmem:v3+s16+$0xFFFFFFE0 ss:$0x1], $0xffff  }
0x18d: {  	v8 =	vld.idx.msk [tilespmem:v4+s16+$0xFFFFFFB0 ss:$0x1], $0xffff;
	_ =	sdelay $0x4  }
0x18e: {  	v7 =	vmul.f32 v7, v5;
	v8 =	vmul.f32 v8, v6;
	_ =	sdelay $0x1  }
0x18f: {  	v7 =	vadd.f32 v8, v7;
	_ =	sdelay $0x1  }
0x190: {  	[tilespmem:v3+s16+$0xFFFFFFE0 ss:$0x1] =	vst.idx.msk $0xffff, v7  }
0x191: {  	v7 =	vld.idx.msk [tilespmem:v3+s16+$0xFFFFFFF0 ss:$0x1], $0xffff  }
0x192: {  	v8 =	vld.idx.msk [tilespmem:v4+s16+$0xFFFFFFC0 ss:$0x1], $0xffff;
	_ =	sdelay $0x4  }
0x193: {  	v7 =	vmul.f32 v7, v5;
	v8 =	vmul.f32 v8, v6;
	_ =	sdelay $0x1  }
0x194: {  	v7 =	vadd.f32 v8, v7;
	_ =	sdelay $0x1  }
0x195: {  	[tilespmem:v3+s16+$0xFFFFFFF0 ss:$0x1] =	vst.idx.msk $0xffff, v7  }
0x196: {  	v7 =	vld.idx.msk [tilespmem:v3+s16+$0x0 ss:$0x1], $0xffff  }
0x197: {  	v8 =	vld.idx.msk [tilespmem:v4+s16+$0xFFFFFFD0 ss:$0x1], $0xffff;
	_ =	sdelay $0x4  }
0x198: {  	v7 =	vmul.f32 v7, v5;
	v8 =	vmul.f32 v8, v6;
	_ =	sdelay $0x1  }
0x199: {  	v7 =	vadd.f32 v8, v7;
	_ =	sdelay $0x1  }
0x19a: {  	[tilespmem:v3+s16+$0x0 ss:$0x1] =	vst.idx.msk $0xffff, v7  }
0x19b: {  	v7 =	vld.idx.msk [tilespmem:v3+s16+$0x10 ss:$0x1], $0xffff  }
0x19c: {  	v8 =	vld.idx.msk [tilespmem:v4+s16+$0xFFFFFFE0 ss:$0x1], $0xffff;
	_ =	sdelay $0x4  }
0x19d: {  	v7 =	vmul.f32 v7, v5;
	v8 =	vmul.f32 v8, v6;
	_ =	sdelay $0x1  }
0x19e: {  	v7 =	vadd.f32 v8, v7;
	_ =	sdelay $0x1  }
0x19f: {  	[tilespmem:v3+s16+$0x10 ss:$0x1] =	vst.idx.msk $0xffff, v7  }
0x1a0: {  	v7 =	vld.idx.msk [tilespmem:v3+s16+$0x20 ss:$0x1], $0xffff  }
0x1a1: {  	v8 =	vld.idx.msk [tilespmem:v4+s16+$0xFFFFFFF0 ss:$0x1], $0xffff;
	_ =	sdelay $0x4  }
0x1a2: {  	v7 =	vmul.f32 v7, v5;
	v8 =	vmul.f32 v8, v6;
	_ =	sdelay $0x1  }
0x1a3: {  	v7 =	vadd.f32 v8, v7;
	_ =	sdelay $0x1  }
0x1a4: {  	[tilespmem:v3+s16+$0x20 ss:$0x1] =	vst.idx.msk $0xffff, v7  }
0x1a5: {  	v7 =	vld.idx.msk [tilespmem:v3+s16+$0x30 ss:$0x1], $0xffff  }
0x1a6: {  	s29 =	simm.s32 $0x1000;
	v8 =	vld.idx.msk [tilespmem:v4+s16+$0x0 ss:$0x1], $0xffff  }
.LBB2_7:
0x1a7: {  	p0 =	sne.s32 s29, $0x7000;
	s17 =	smov.u32 s29;
	s29 =	sadd.s32 $0x1000, s29  }
0x1a8: {  	_ =	sdelay $0x1  }
0x1a9: {  	v7 =	vmul.f32 v7, v5  }
0x1aa: {  	v8 =	vmul.f32 v8, v6;
	_ =	sdelay $0x1  }
0x1ab: {  	v7 =	vadd.f32 v8, v7  }
0x1ac: {  	s17 =	sshra.s32 s17, $0x2  }
0x1ad: {  	v8 =	vld.idx.msk [tilespmem:v3+s17+$0xFFFFFFC0 ss:$0x1], $0xffff;
	[tilespmem:v3+s16+$0x30 ss:$0x1] =	vst.idx.msk $0xffff, v7;
	s16 =	smov.u32 s17  }
0x1ae: {  	v7 =	vld.idx.msk [tilespmem:v4+s16+$0xFFFFFF90 ss:$0x1], $0xffff;
	_ =	sdelay $0x4  }
0x1af: {  	v8 =	vmul.f32 v8, v5  }
0x1b0: {  	v7 =	vmul.f32 v7, v6;
	_ =	sdelay $0x1  }
0x1b1: {  	v7 =	vadd.f32 v7, v8;
	_ =	sdelay $0x1  }
0x1b2: {  	[tilespmem:v3+s16+$0xFFFFFFC0 ss:$0x1] =	vst.idx.msk $0xffff, v7  }
0x1b3: {  	v7 =	vld.idx.msk [tilespmem:v3+s16+$0xFFFFFFD0 ss:$0x1], $0xffff  }
0x1b4: {  	v8 =	vld.idx.msk [tilespmem:v4+s16+$0xFFFFFFA0 ss:$0x1], $0xffff;
	_ =	sdelay $0x4  }
0x1b5: {  	v7 =	vmul.f32 v7, v5  }
0x1b6: {  	v8 =	vmul.f32 v8, v6;
	_ =	sdelay $0x1  }
0x1b7: {  	v7 =	vadd.f32 v8, v7;
	_ =	sdelay $0x1  }
0x1b8: {  	[tilespmem:v3+s16+$0xFFFFFFD0 ss:$0x1] =	vst.idx.msk $0xffff, v7  }
0x1b9: {  	v7 =	vld.idx.msk [tilespmem:v3+s16+$0xFFFFFFE0 ss:$0x1], $0xffff  }
0x1ba: {  	v8 =	vld.idx.msk [tilespmem:v4+s16+$0xFFFFFFB0 ss:$0x1], $0xffff;
	_ =	sdelay $0x4  }
0x1bb: {  	v7 =	vmul.f32 v7, v5  }
0x1bc: {  	v8 =	vmul.f32 v8, v6;
	_ =	sdelay $0x1  }
0x1bd: {  	v7 =	vadd.f32 v8, v7;
	_ =	sdelay $0x1  }
0x1be: {  	[tilespmem:v3+s16+$0xFFFFFFE0 ss:$0x1] =	vst.idx.msk $0xffff, v7  }
0x1bf: {  	v7 =	vld.idx.msk [tilespmem:v3+s16+$0xFFFFFFF0 ss:$0x1], $0xffff  }
0x1c0: {  	v8 =	vld.idx.msk [tilespmem:v4+s16+$0xFFFFFFC0 ss:$0x1], $0xffff;
	_ =	sdelay $0x4  }
0x1c1: {  	v7 =	vmul.f32 v7, v5  }
0x1c2: {  	v8 =	vmul.f32 v8, v6;
	_ =	sdelay $0x1  }
0x1c3: {  	v7 =	vadd.f32 v8, v7;
	_ =	sdelay $0x1  }
0x1c4: {  	[tilespmem:v3+s16+$0xFFFFFFF0 ss:$0x1] =	vst.idx.msk $0xffff, v7  }
0x1c5: {  	v7 =	vld.idx.msk [tilespmem:v3+s16+$0x0 ss:$0x1], $0xffff  }
0x1c6: {  	v8 =	vld.idx.msk [tilespmem:v4+s16+$0xFFFFFFD0 ss:$0x1], $0xffff;
	_ =	sdelay $0x4  }
0x1c7: {  	v7 =	vmul.f32 v7, v5  }
0x1c8: {  	v8 =	vmul.f32 v8, v6;
	_ =	sdelay $0x1  }
0x1c9: {  	v7 =	vadd.f32 v8, v7;
	_ =	sdelay $0x1  }
0x1ca: {  	[tilespmem:v3+s16+$0x0 ss:$0x1] =	vst.idx.msk $0xffff, v7  }
0x1cb: {  	v7 =	vld.idx.msk [tilespmem:v3+s16+$0x10 ss:$0x1], $0xffff  }
0x1cc: {  	v8 =	vld.idx.msk [tilespmem:v4+s16+$0xFFFFFFE0 ss:$0x1], $0xffff;
	_ =	sdelay $0x4  }
0x1cd: {  	v7 =	vmul.f32 v7, v5  }
0x1ce: {  	v8 =	vmul.f32 v8, v6;
	_ =	sdelay $0x1  }
0x1cf: {  	v7 =	vadd.f32 v8, v7;
	_ =	sdelay $0x1  }
0x1d0: {  	[tilespmem:v3+s16+$0x10 ss:$0x1] =	vst.idx.msk $0xffff, v7  }
0x1d1: {  	v7 =	vld.idx.msk [tilespmem:v3+s16+$0x20 ss:$0x1], $0xffff  }
0x1d2: {  	v8 =	vld.idx.msk [tilespmem:v4+s16+$0xFFFFFFF0 ss:$0x1], $0xffff;
	_ =	sdelay $0x4  }
0x1d3: {  	v7 =	vmul.f32 v7, v5  }
0x1d4: {  	v8 =	vmul.f32 v8, v6;
	_ =	sdelay $0x1  }
.Ltmp2:
0x1d5: {  	v7 =	vadd.f32 v8, v7;
	(pc) =	sbr.rel @p0 .LBB2_7-.Ltmp2, $4  }
0x1d6: {  	_ = 	snop  }
0x1d7: {  	[tilespmem:v3+s16+$0x20 ss:$0x1] =	vst.idx.msk $0xffff, v7  }
0x1d8: {  	v7 =	vld.idx.msk [tilespmem:v3+s16+$0x30 ss:$0x1], $0xffff  }
0x1d9: {  	v8 =	vld.idx.msk [tilespmem:v4+s16+$0x0 ss:$0x1], $0xffff  }
0x1da: {  	_ =	sdelay $0x1  }
0x1db: {  	s28 =	sadd.s32 $0x1, s28  }
0x1dc: {  	p0 =	sne.s32 s28, $0x20  }
.Ltmp3:
0x1dd: {  	v4 =	vmul.f32 v7, v5;
	v63 =	vmul.f32 v8, v6;
	(pc) =	sbr.rel @p0 .LBB2_6-.Ltmp3, $3  }
0x1de: {  	_ = 	snop  }
0x1df: {  	v4 =	vadd.f32 v63, v4;
	_ =	sdelay $0x1  }
0x1e0: {  	s15 =	sadd.s32 $0x1, s15;
	[tilespmem:v3+s16+$0x30 ss:$0x1] =	vst.idx.msk $0xffff, v4  }
0x1e1: {  	s15 =	rddreg [dreg:$0xc]  }
0x1e2: {  	[hbm4b:s15+s1] =	stream.linear.scatter [tilespmem:s23], [sflag:$0x5], $0x8000, $0x38;
	[tilespmem:$0x12200] =	vst v63  }
0x1e3: {  	_ =	swait.ge [sflag:s19], $0x8000  }
0x1e4: {  	s26 =	sadd.s32 $0x1, s26;
	s29 =	rddreg [dreg:$0xd]  }
0x1e5: {  	p0 =	sne.s32 s26, s29  }
.Ltmp4:
0x1e6: {  	_ = 	snop;
	(pc) =	sbr.rel @p0 .LBB2_1-.Ltmp4, $3  }
0x1e7: {  	_ =	sdelay $0x1  }
0x1e8: {  	[sflag:s19] =	ssyncset.done $0x0  }
0x1e9: {  	[sflag:s19] =	ssyncadd.s32 $0xFFFF8000  }
0x1ea: {  	_ =	sfence.sel $0x180000  }
0x1eb: {  	[bflag:$0x0] =	sbarrier.arrive $0xFFFF  }
0x1ec: {  	_ =	strace $0x9000004A  }
0x1ed: {  	s0 =	stileid.u32;
	[bflag:$0x2] =	sbarrier.arrive $0xFFFF  }
0x1ee: {  	p0 =	sne.s32 s0, $0x0;
	s0 =	rddreg [dreg:$0x2]  }
0x1ef: {  	s0 =	sadd.s32 @!p0 $0x100000, s0  }
0x1f0: {  	[sflag:s0] =	ssyncadd.tile.s32 @!p0 $0x1;
	_ =	shalt  }
.Lfunc_end2:
_tile_overlayer_lowered:
.L_overlay_start_2:
0x1f1: {  	(tag) =	ssettag $0x2  }
0x1f2: {  	s0 =	rddreg [dreg:$0x0];
	s2 =	stileid.u32  }
0x1f3: {  	s1 =	rddreg [dreg:$0x1];
	p0 =	sne.s32 s2, $0x0  }
0x1f4: {  	s3 =	rddreg [dreg:$0x2];
	[bflag:$0x3] =	sbarrier.arrive $0xFFFF;
	s2 =	simm.s32 @!p0 $0x1C05  }
0x1f5: {  	[timem:s3], [sflag:s2] =	dma.local @!p0 [hbm:s0], s1  }
0x1f6: {  	s0 =	simm.s32 @!p0 $0x5  }
0x1f7: {  	_ =	swait.ge @!p0 [sflag:s0], s1  }
0x1f8: {  	s1 =	ssub.s32 @!p0 $0x0, s1;
	[sflag:s0] =	ssyncset.done @!p0 $0x0  }
0x1f9: {  	[sflag:s0] =	ssyncadd.s32 @!p0 s1  }
0x1fa: {  	[bflag:$0x3] =	sbarrier.arrive $0xFFFF  }
0x1fb: {  	_ =	shalt  }

// kernel: sc_dispatch_scatter.3.cloned.1.call-start
scs
__scs_entry_jumppad:
0x0: {  	(pc) =	sbr.rel $0x88, $3  }
0x1: {  	(tag) =	ssettag $0x0;
	lr =	simm.s32 $0x1  }
0x2: {  	[smem:$0x3F9C] =	sst lr;
	_ =	strace $0xD0000000  }
0x3: {  	_ = 	snop  }
0x4: {  	_ = 	snop  }
0x5: {  	_ = 	snop  }
0x6: {  	_ = 	snop  }
0x7: {  	_ = 	snop  }
__scs_overlays_trampoline_lowered:
0x8: {  	[smem:$0x3FAB] =	sst s0  }
0x9: {  	[smem:$0x3FAC] =	sst s1  }
0xa: {  	[smem:$0x3FAD] =	sst s2  }
0xb: {  	[smem:$0x3FAE] =	sst s3  }
0xc: {  	[smem:$0x3FAF] =	sst s4  }
0xd: {  	[smem:$0x3FB0] =	sst s5  }
0xe: {  	[smem:$0x3FB1] =	sst s6  }
0xf: {  	[smem:$0x3FB2] =	sst s7  }
0x10: {  	[smem:$0x3FB3] =	sst s8  }
0x11: {  	[smem:$0x3FB4] =	sst s9;
	s0 =	simm.s32 @!p0 $0x0  }
0x12: {  	s1 =	sld [smem:$0x3F9A];
	s0 =	simm.s32 @p0 $0x1  }
0x13: {  	[smem:$0x3FB5] =	sst s0;
	s0 =	simm.s32 @!p1 $0x0  }
0x14: {  	s2 =	sld [smem:$0x3F99];
	s0 =	simm.s32 @p1 $0x1  }
0x15: {  	[smem:$0x3FB6] =	sst s0;
	s0 =	simm.s32 @!p2 $0x0  }
0x16: {  	s3 =	sld [smem:$0x3FDB];
	s0 =	simm.s32 @p2 $0x1  }
0x17: {  	s4 =	simm.s32 $0x1BF5;
	[smem:$0x3FB8] =	sst s0  }
0x18: {  	s0 =	sld [smem:$0x3F9B];
	_ =	swait.ge [sflag:s4], $0x0  }
0x19: {  	s7 =	sld [smem:$0x3F9C]  }
0x1a: {  	s8 =	sadd.s32 $0xFFFFE003, lr  }
0x1b: {  	s9 =	sadd.s32 $0xFFFFFEF7, lr;
	s5 =	simm.s32 $0xFFFFFFFF;
	p2 =	slt.u32 s8, $0xFFFFF086  }
0x1c: {  	p1 =	slt.u32 s9, $0xF7A;
	s5 =	simm.s32 @!p2 $0x0  }
0x1d: {  	s5 =	simm.s32 @p1 $0x1;
	p0 =	seq.s32 s7, s2  }
0x1e: {  	s7 =	smul.u32 @!p0 $0xF7A, s2;
	p2 =	seq.s32 @!p0 s5, $0x0  }
0x1f: {  	s9 =	smul.u32 $0xF7A, s1;
	s8 =	simm.s32 @!p0 $0x1BF5;
	p2 =	por !p2, p0  }
0x20: {  	[sflag:s8] =	ssyncset.s32 @!p0 $0xFFFFF086;
	s6 =	sadd.s32 @!p0 s3, s7;
	s7 =	simm.s32 @!p0 $0x108  }
0x21: {  	s3 =	sadd.s32 s3, s9;
	s6 =	sadd.s32 @!p0 $0x88, s6;
	s7 =	simm.s32 @p2 $0x1082  }
0x22: {  	[simem:s7], [sflag:s8] =	dma.local @!p0 [hbm:s6], $0xF7A  }
0x23: {  	s9 =	sor.u32 $0xD0000000, s2;
	s6 =	simm.s32 $0x108;
	_ =	swait.ge @!p0 [sflag:s8], $0x0  }
0x24: {  	s3 =	sadd.s32 $0x88, s3;
	s6 =	simm.s32 @!p1 $0x1082;
	[sflag:s4] =	ssyncset.s32 $0xFFFFF086  }
0x25: {  	[simem:s6], [sflag:s4] =	dma.local [hbm:s3], $0xF7A  }
0x26: {  	[smem:$0x3F9C] =	sst s1;
	(tag) =	ssettag s2;
	_ =	strace s9  }
0x27: {  	s1 =	sld [smem:$0x3FAC]  }
0x28: {  	s2 =	sld [smem:$0x3FAD]  }
0x29: {  	s4 =	sld [smem:$0x3FAF]  }
0x2a: {  	p0 =	seq.s32 s5, $0x0;
	s5 =	sld [smem:$0x3FB0]  }
0x2b: {  	s6 =	sld [smem:$0x3FB1]  }
0x2c: {  	s7 =	sld [smem:$0x3FB2]  }
0x2d: {  	s3 =	simm.s32 $0x108;
	s8 =	sld [smem:$0x3FB3]  }
0x2e: {  	s3 =	simm.s32 @!p0 $0x1082;
	s9 =	sld [smem:$0x3FB4]  }
0x2f: {  	lr =	sadd.s32 s0, s3;
	s0 =	sld [smem:$0x3FAB]  }
0x30: {  	s3 =	sld [smem:$0x3FAE]  }
0x31: {  	[smem:$0x3FB7] =	sst s10  }
0x32: {  	s10 =	sld [smem:$0x3FB5];
	_ =	sdelay $0x3  }
0x33: {  	p0 =	seq.s32 s10, $0x1;
	s10 =	sld [smem:$0x3FB7];
	_ =	sdelay $0x3  }
0x34: {  	[smem:$0x3FB7] =	sst s10  }
0x35: {  	s10 =	sld [smem:$0x3FB6];
	_ =	sdelay $0x3  }
0x36: {  	p1 =	seq.s32 s10, $0x1;
	s10 =	sld [smem:$0x3FB7];
	_ =	sdelay $0x3  }
0x37: {  	[smem:$0x3FB7] =	sst s10  }
0x38: {  	s10 =	sld [smem:$0x3FB8]  }
0x39: {  	_ = 	snop;
	(pc) =	sbr.ind lr, $3  }
0x3a: {  	_ = 	snop  }
0x3b: {  	_ = 	snop  }
0x3c: {  	p2 =	seq.s32 s10, $0x1;
	s10 =	sld [smem:$0x3FB7]  }
0x3d: {  	_ =	shalt  }
0x3e: {  	_ =	shalt  }
0x3f: {  	_ =	shalt  }
0x40: {  	_ =	shalt  }
0x41: {  	_ =	shalt  }
0x42: {  	_ =	shalt  }
0x43: {  	_ =	shalt  }
0x44: {  	_ =	shalt  }
0x45: {  	_ =	shalt  }
0x46: {  	_ =	shalt  }
0x47: {  	_ =	shalt  }
0x48: {  	_ =	shalt  }
0x49: {  	_ =	shalt  }
0x4a: {  	_ =	shalt  }
0x4b: {  	_ =	shalt  }
0x4c: {  	_ =	shalt  }
0x4d: {  	_ =	shalt  }
0x4e: {  	_ =	shalt  }
0x4f: {  	_ =	shalt  }
0x50: {  	_ =	shalt  }
0x51: {  	_ =	shalt  }
0x52: {  	_ =	shalt  }
0x53: {  	_ =	shalt  }
0x54: {  	_ =	shalt  }
0x55: {  	_ =	shalt  }
0x56: {  	_ =	shalt  }
0x57: {  	_ =	shalt  }
0x58: {  	_ =	shalt  }
0x59: {  	_ =	shalt  }
0x5a: {  	_ =	shalt  }
0x5b: {  	_ =	shalt  }
0x5c: {  	_ =	shalt  }
0x5d: {  	_ =	shalt  }
0x5e: {  	_ =	shalt  }
0x5f: {  	_ =	shalt  }
0x60: {  	_ =	shalt  }
0x61: {  	_ =	shalt  }
0x62: {  	_ =	shalt  }
0x63: {  	_ =	shalt  }
0x64: {  	_ =	shalt  }
0x65: {  	_ =	shalt  }
0x66: {  	_ =	shalt  }
0x67: {  	_ =	shalt  }
0x68: {  	_ =	shalt  }
0x69: {  	_ =	shalt  }
0x6a: {  	_ =	shalt  }
0x6b: {  	_ =	shalt  }
0x6c: {  	_ =	shalt  }
0x6d: {  	_ =	shalt  }
0x6e: {  	_ =	shalt  }
0x6f: {  	_ =	shalt  }
0x70: {  	_ =	shalt  }
0x71: {  	_ =	shalt  }
0x72: {  	_ =	shalt  }
0x73: {  	_ =	shalt  }
0x74: {  	_ =	shalt  }
0x75: {  	_ =	shalt  }
0x76: {  	_ =	shalt  }
0x77: {  	_ =	shalt  }
0x78: {  	_ =	shalt  }
0x79: {  	_ =	shalt  }
0x7a: {  	_ =	shalt  }
0x7b: {  	_ =	shalt  }
0x7c: {  	_ =	shalt  }
0x7d: {  	_ =	shalt  }
0x7e: {  	_ =	shalt  }
0x7f: {  	_ =	shalt  }
0x80: {  	_ =	shalt  }
0x81: {  	_ =	shalt  }
0x82: {  	_ =	shalt  }
0x83: {  	_ =	shalt  }
0x84: {  	_ =	shalt  }
0x85: {  	_ =	shalt  }
0x86: {  	_ =	shalt  }
0x87: {  	_ =	shalt  }
.Lfunc_end0:
.L_simem_size_0:
called_computation_lowered:
.L_overlay_start_0:
0x88: {  	s2 =	sld [smem:$0x3FD9]  }
0x89: {  	s3 =	sld [smem:$0x3FFE];
	_ =	sdelay $0x1  }
0x8a: {  	s1 =	srdreg.scid  }
0x8b: {  	s0 =	sand.u32 $0x1, s1  }
0x8c: {  	s17 =	sshll.u32 s0, $0xA;
	s2 =	sadd.s32 s3, s2  }
0x8d: {  	s2 =	sadd.s32 s2, s17  }
0x8e: {  	[smem:$0x3FC3] =	sst s2  }
0x8f: {  	_ = 	snop  }
0x90: {  	s2 =	sld [smem:$0x3FC9];
	(tm) =	ssettm $0x1  }
0x91: {  	s18 =	sld [smem:$0x3FFB];
	_ =	sdelay $0x3  }
0x92: {  	_ =	strace s18  }
0x93: {  	s3 =	sld [smem:$0x3FFC];
	_ =	sdelay $0x3  }
0x94: {  	_ =	strace s3  }
0x95: {  	s3 =	sld [smem:$0x3FFD];
	_ =	sdelay $0x3  }
0x96: {  	_ =	strace s3  }
0x97: {  	_ =	strace $0x8FFFFFFF  }
0x98: {  	s19 =	sld [smem:$0x3FDB];
	_ =	sdelay $0x1  }
0x99: {  	s4 =	simm.s32 $_scs_section_size  }
0x9a: {  	s5 =	simm.s32 $_size__tile_overlayer_lowered;
	s6 =	simm.s32 $_tile_overlayer_lowered  }
0x9b: {  	s22 =	simm.s32 $0x1BFF;
	s21 =	sshll.u32 s6, $0x1;
	s3 =	sadd.s32 s4, s19  }
0x9c: {  	s7 =	simm.s32 $0x0;
	s20 =	sshll.u32 s5, $0x1;
	s5 =	sadd.s32 s21, s3  }
0x9d: {  	[timem:s7], [sflag:s22] =	dma.local [hbm:s5], s20  }
0x9e: {  	_ =	swait.ge [sflag:s22], s20  }
0x9f: {  	s4 =	ssub.s32 $0x0, s20;
	[sflag:s22] =	ssyncset.done $0x0  }
0xa0: {  	[sflag:s22] =	ssyncadd.s32 s4;
	_ =	sdelay $0x1  }
0xa1: {  	s23 =	simm.s32 $0x1B8B  }
0xa2: {  	_ =	swait.ge [sflag:s23], $0x1  }
0xa3: {  	[sflag:s23] =	ssyncset.done $0x0  }
0xa4: {  	s25 =	simm.s32 $0x1B8E;
	s24 =	sld [smem:$0x3FFE];
	[sflag:s23] =	ssyncadd.s32 $0xFFFFFFFF  }
0xa5: {  	s26 =	simm.s32 $execute0_lowered;
	[smem:$0x3FD2] =	sst s25  }
0xa6: {  	s5 =	sshll.u32 s26, $0x1;
	_ =	strace $0x80000046;
	[dreg:$0x1] =	wrdreg $0xFFFFFFFF  }
0xa7: {  	s28 =	simm.s32 $_size_execute0_lowered;
	s3 =	sadd.s32 s3, s5;
	[dreg:$0x0] =	wrdreg $0x0  }
0xa8: {  	s5 =	sshll.u32 s28, $0x1;
	[dreg:$0x2] =	wrdreg s3  }
0xa9: {  	[dreg:$0x3] =	wrdreg s5  }
0xaa: {  	[dreg:$0x4] =	wrdreg $0xC0  }
0xab: {  	_ =	task [dreg:s7], $0x5FFFF  }
0xac: {  	[dreg:$0x1] =	wrdreg $0xFFFFFFFF  }
0xad: {  	[dreg:$0x0] =	wrdreg $0x60  }
0xae: {  	[dreg:$0x2] =	wrdreg s2  }
0xaf: {  	[dreg:$0x3] =	wrdreg s24  }
0xb0: {  	[dreg:$0x4] =	wrdreg $0x9  }
0xb1: {  	_ =	task.clear_ibuf [dreg:s7], $0x5FFFF;
	_ =	strace $0x90000046  }
0xb2: {  	s29 =	simm.s32 $0x9;
	_ =	strace $0x80000048  }
0xb3: {  	_ =	swait.ge [sflag:s29], $0x1  }
0xb4: {  	[sflag:s29] =	ssyncadd.s32 $0xFFFFFFFF  }
0xb5: {  	_ =	strace $0x90000048  }
0xb6: {  	_ =	sfence  }
0xb7: {  	s30 =	sld [smem:$0x0];
	_ =	sdelay $0x2  }
0xb8: {  	s31 =	sshll.u32 s1, $0xD;
	s1 =	sshrl.u32 s1, $0x2  }
0xb9: {  	s3 =	sand.u32 $0x4000, s31;
	s1 =	sadd.s32 s1, s30  }
0xba: {  	s0 =	sor.u32 s3, s0;
	s1 =	sshll.u32 s1, $0x11  }
0xbb: {  	s0 =	sor.u32 s1, s0  }
0xbc: {  	s0 =	sadd.s32 $0x8F2B, s0  }
0xbd: {  	[sflag:s0] =	ssyncadd.remote.s32 $0x1  }
0xbe: {  	_ =	sfence.sel $0xFFFF  }
0xbf: {  	[dreg:$0x0] =	wrdreg $0xFFFFFFFF;
	(pc) =	sbr.abs _section_cstart, $3  }
0xc0: {  	[dreg:$0x1] =	wrdreg $0xFFFFFFFF  }
0xc1: {  	_ =	task.clear_ibuf [dreg:s7], $0x2FFFF;
	_ =	strace $0x9FFFFFFF  }
0xc2: {  	(tm) =	ssettm $0x7FFFFFFF  }
0xc3: {  	_ =	shalt  }
tec
execute0_lowered:
.L_overlay_start_1:
0x0: {  	(tag) =	ssettag $0x1  }
0x1: {  	s0 =	rddreg [dreg:$0x0]  }
0x2: {  	s1 =	rddreg [dreg:$0x1]  }
0x3: {  	s2 =	srdreg.scid;
	s3 =	stileid.u32  }
0x4: {  	s26 =	simm.s32 $0x80;
	s9 =	simm.s32 $0x3;
	s23 =	simm.s32 $0x1900  }
0x5: {  	s24 =	simm.s32 $0x2100;
	s28 =	simm.s32 $0x3900;
	s29 =	simm.s32 $0x4100  }
0x6: {  	s30 =	simm.s32 $0x4900;
	s31 =	simm.s32 $0x5100;
	s11 =	simm.s32 $0x7100  }
0x7: {  	s12 =	simm.s32 $0x7900;
	s13 =	simm.s32 $0x8100;
	s14 =	simm.s32 $0x8900  }
0x8: {  	s15 =	simm.s32 $0x9100;
	s16 =	simm.s32 $0x9900;
	s17 =	simm.s32 $0xA100  }
0x9: {  	s18 =	simm.s32 $0xA900;
	s10 =	simm.s32 $0xB100;
	s20 =	simm.s32 $0xB900  }
0xa: {  	s4 =	sand.u32 $0x1, s2;
	s2 =	simm.s32 $0x0;
	s3 =	sshll.u32 s3, $0x7  }
0xb: {  	s5 =	sshll.u32 s4, $0x6;
	[smem:$0x7FF] =	sst s2;
	s4 =	ssub.s32 $0x2, s4  }
0xc: {  	s5 =	sor.u32 s5, s3;
	_ =	strace $0x80000047;
	s3 =	sadd.s32 $0xC00, s1  }
0xd: {  	s25 =	sshrl.u32 s4, $0x1;
	[dreg:$0x5] =	wrdreg s26;
	s26 =	simm.s32 $0x3100  }
0xe: {  	s6 =	sshrl.u32 s5, $0x3;
	s5 =	sshll.u32 s5, $0x7;
	s4 =	ssub.s32 s4, s25  }
0xf: {  	s25 =	simm.s32 $0x2900;
	s7 =	sadd.s32 s1, s6;
	s0 =	sadd.s32 s0, s5  }
0x10: {  	v2 =	vlaneseq.u32;
	s5 =	sadd.s32 $0xD00, s1;
	s6 =	sadd.s32 $0xE00, s1;
	[dreg:$0x6] =	wrdreg s7  }
0x11: {  	vm0 =	vmmov $0xffff;
	v1 =	vshrl.u32 v2, $0x3;
	s8 =	smax.u32 s4, $0x1;
	s7 =	sadd.s32 $0x200, s7;
	[dreg:$0x4] =	wrdreg s0  }
0x12: {  	v0 =	vand.u32 $0x7, v2;
	v2 =	vor.u32 $0x8, v2;
	v1 =	vmul.u32 $0x8, v1;
	s4 =	simm.s32 $0x6900;
	[dreg:$0x3] =	wrdreg s7;
	s7 =	sadd.s32 $0xF00, s1  }
.LBB2_1:
0x13: {  	s21 =	rddreg [dreg:$0x3]  }
0x14: {  	[tilespmem:s2], [sflag:$0x3] =	stream.linear.gather [hbm4b:s21+s2], $0x40, $0x38;
	[tilespmem:$0x10100] =	vst v63  }
0x15: {  	_ =	swait.ge [sflag:s9], $0x40  }
0x16: {  	s0 =	rddreg [dreg:$0x5];
	[sflag:s9] =	ssyncset.done $0x0  }
0x17: {  	s22 =	rddreg [dreg:$0x6];
	[sflag:s9] =	ssyncadd.s32 $0xFFFFFFC0  }
0x18: {  	[tilespmem:s0], [sflag:$0x3] =	stream.linear.gather [hbm4b:s22+s2], $0x40, $0x38;
	[tilespmem:$0x10100] =	vst v63  }
0x19: {  	_ =	swait.ge [sflag:s9], $0x40  }
0x1a: {  	[sflag:s9] =	ssyncset.done $0x0  }
0x1b: {  	s19 =	simm.s32 $0x100;
	s1 =	rddreg [dreg:$0x4];
	[sflag:s9] =	ssyncadd.s32 $0xFFFFFFC0  }
0x1c: {  	[tilespmem:s19], [sflag:$0x3] =	stream.linear.gather [hbm4b:s1+s2], $0x10000, $0x38;
	[tilespmem:$0x10100] =	vst v63  }
0x1d: {  	_ =	swait.ge [sflag:s9], $0x10000  }
0x1e: {  	[sflag:s9] =	ssyncset.done $0x0  }
0x1f: {  	[sflag:s9] =	ssyncadd.s32 $0xFFFF0000  }
0x20: {  	v3 =	vld [tilespmem:$0x0];
	_ =	sdelay $0x4  }
0x21: {  	v4 =	vshll.u32 v3, $0x3  }
0x22: {  	v3 =	vand.u32 $0x7, v3;
	v4 =	vand.u32 $0xFFFFFFC0, v4  }
0x23: {  	v3 =	vor.u32 v3, v4  }
0x24: {  	v4 =	vperm.xlane v3, v0;
	_ =	sdelay $0x1  }
0x25: {  	v4 =	vadd.s32 v1, v4;
	_ =	sdelay $0x4  }
0x26: {  	[hbm4b:s3+s2] =	stream.indirect_vreg.scatter [tilespmem:s19], [sflag:$0x1], $0x80, v4, vm0, $0xb8;
	[tilespmem:$0x10100] =	vst v63  }
0x27: {  	s21 =	simm.s32 $0x900;
	v3 =	vperm.xlane v3, v2  }
0x28: {  	[hbm4b:s5+s2] =	stream.indirect_vreg.scatter [tilespmem:s21], [sflag:$0x1], $0x80, v4, vm0, $0xb8;
	[tilespmem:$0x10100] =	vst v63  }
0x29: {  	s22 =	simm.s32 $0x1100;
	v3 =	vadd.s32 v1, v3  }
0x2a: {  	[hbm4b:s6+s2] =	stream.indirect_vreg.scatter [tilespmem:s22], [sflag:$0x1], $0x80, v4, vm0, $0xb8;
	[tilespmem:$0x10100] =	vst v63  }
0x2b: {  	_ = 	snop  }
0x2c: {  	[hbm4b:s7+s2] =	stream.indirect_vreg.scatter [tilespmem:s23], [sflag:$0x1], $0x80, v4, vm0, $0xb8;
	[tilespmem:$0x10100] =	vst v63  }
0x2d: {  	_ = 	snop  }
0x2e: {  	[hbm4b:s3+s2] =	stream.indirect_vreg.scatter [tilespmem:s24], [sflag:$0x1], $0x80, v3, vm0, $0xb8;
	[tilespmem:$0x10100] =	vst v63  }
0x2f: {  	_ = 	snop  }
0x30: {  	[hbm4b:s5+s2] =	stream.indirect_vreg.scatter [tilespmem:s25], [sflag:$0x1], $0x80, v3, vm0, $0xb8;
	[tilespmem:$0x10100] =	vst v63  }
0x31: {  	_ = 	snop  }
0x32: {  	[hbm4b:s6+s2] =	stream.indirect_vreg.scatter [tilespmem:s26], [sflag:$0x1], $0x80, v3, vm0, $0xb8;
	[tilespmem:$0x10100] =	vst v63  }
0x33: {  	_ = 	snop  }
0x34: {  	[hbm4b:s7+s2] =	stream.indirect_vreg.scatter [tilespmem:s28], [sflag:$0x1], $0x80, v3, vm0, $0xb8;
	[tilespmem:$0x10100] =	vst v63  }
0x35: {  	v3 =	vld [tilespmem:$0x10];
	_ =	sdelay $0x4  }
0x36: {  	v57 =	vshll.u32 v3, $0x3  }
0x37: {  	v3 =	vand.u32 $0x7, v3;
	v4 =	vand.u32 $0xFFFFFFC0, v57  }
0x38: {  	v3 =	vor.u32 v3, v4  }
0x39: {  	v4 =	vperm.xlane v3, v0;
	_ =	sdelay $0x1  }
0x3a: {  	v4 =	vadd.s32 v1, v4;
	_ =	sdelay $0x4  }
0x3b: {  	[hbm4b:s3+s2] =	stream.indirect_vreg.scatter [tilespmem:s29], [sflag:$0x1], $0x80, v4, vm0, $0xb8;
	[tilespmem:$0x10100] =	vst v63  }
0x3c: {  	v3 =	vperm.xlane v3, v2  }
0x3d: {  	[hbm4b:s5+s2] =	stream.indirect_vreg.scatter [tilespmem:s30], [sflag:$0x1], $0x80, v4, vm0, $0xb8;
	[tilespmem:$0x10100] =	vst v63  }
0x3e: {  	v3 =	vadd.s32 v1, v3  }
0x3f: {  	[hbm4b:s6+s2] =	stream.indirect_vreg.scatter [tilespmem:s31], [sflag:$0x1], $0x80, v4, vm0, $0xb8;
	[tilespmem:$0x10100] =	vst v63  }
0x40: {  	s0 =	simm.s32 $0x5900  }
0x41: {  	[hbm4b:s7+s2] =	stream.indirect_vreg.scatter [tilespmem:s0], [sflag:$0x1], $0x80, v4, vm0, $0xb8;
	[tilespmem:$0x10100] =	vst v63  }
0x42: {  	s1 =	simm.s32 $0x6100  }
0x43: {  	[hbm4b:s3+s2] =	stream.indirect_vreg.scatter [tilespmem:s1], [sflag:$0x1], $0x80, v3, vm0, $0xb8;
	[tilespmem:$0x10100] =	vst v63  }
0x44: {  	_ = 	snop  }
0x45: {  	[hbm4b:s5+s2] =	stream.indirect_vreg.scatter [tilespmem:s4], [sflag:$0x1], $0x80, v3, vm0, $0xb8;
	[tilespmem:$0x10100] =	vst v63  }
0x46: {  	_ = 	snop  }
0x47: {  	[hbm4b:s6+s2] =	stream.indirect_vreg.scatter [tilespmem:s11], [sflag:$0x1], $0x80, v3, vm0, $0xb8;
	[tilespmem:$0x10100] =	vst v63  }
0x48: {  	_ = 	snop  }
0x49: {  	[hbm4b:s7+s2] =	stream.indirect_vreg.scatter [tilespmem:s12], [sflag:$0x1], $0x80, v3, vm0, $0xb8;
	[tilespmem:$0x10100] =	vst v63  }
0x4a: {  	v3 =	vld [tilespmem:$0x20];
	_ =	sdelay $0x4  }
0x4b: {  	v58 =	vshll.u32 v3, $0x3  }
0x4c: {  	v3 =	vand.u32 $0x7, v3;
	v4 =	vand.u32 $0xFFFFFFC0, v58  }
0x4d: {  	v3 =	vor.u32 v3, v4  }
0x4e: {  	v4 =	vperm.xlane v3, v0;
	_ =	sdelay $0x1  }
0x4f: {  	v4 =	vadd.s32 v1, v4;
	_ =	sdelay $0x4  }
0x50: {  	[hbm4b:s3+s2] =	stream.indirect_vreg.scatter [tilespmem:s13], [sflag:$0x1], $0x80, v4, vm0, $0xb8;
	[tilespmem:$0x10100] =	vst v63  }
0x51: {  	v3 =	vperm.xlane v3, v2  }
0x52: {  	[hbm4b:s5+s2] =	stream.indirect_vreg.scatter [tilespmem:s14], [sflag:$0x1], $0x80, v4, vm0, $0xb8;
	[tilespmem:$0x10100] =	vst v63  }
0x53: {  	v3 =	vadd.s32 v1, v3  }
0x54: {  	[hbm4b:s6+s2] =	stream.indirect_vreg.scatter [tilespmem:s15], [sflag:$0x1], $0x80, v4, vm0, $0xb8;
	[tilespmem:$0x10100] =	vst v63  }
0x55: {  	_ = 	snop  }
0x56: {  	[hbm4b:s7+s2] =	stream.indirect_vreg.scatter [tilespmem:s16], [sflag:$0x1], $0x80, v4, vm0, $0xb8;
	[tilespmem:$0x10100] =	vst v63  }
0x57: {  	_ = 	snop  }
0x58: {  	[hbm4b:s3+s2] =	stream.indirect_vreg.scatter [tilespmem:s17], [sflag:$0x1], $0x80, v3, vm0, $0xb8;
	[tilespmem:$0x10100] =	vst v63  }
0x59: {  	_ = 	snop  }
0x5a: {  	[hbm4b:s5+s2] =	stream.indirect_vreg.scatter [tilespmem:s18], [sflag:$0x1], $0x80, v3, vm0, $0xb8;
	[tilespmem:$0x10100] =	vst v63  }
0x5b: {  	_ = 	snop  }
0x5c: {  	[hbm4b:s6+s2] =	stream.indirect_vreg.scatter [tilespmem:s10], [sflag:$0x1], $0x80, v3, vm0, $0xb8;
	[tilespmem:$0x10100] =	vst v63  }
0x5d: {  	_ = 	snop  }
0x5e: {  	[hbm4b:s7+s2] =	stream.indirect_vreg.scatter [tilespmem:s20], [sflag:$0x1], $0x80, v3, vm0, $0xb8;
	[tilespmem:$0x10100] =	vst v63  }
0x5f: {  	v3 =	vld [tilespmem:$0x30];
	_ =	sdelay $0x4  }
0x60: {  	v59 =	vshll.u32 v3, $0x3  }
0x61: {  	v3 =	vand.u32 $0x7, v3;
	v4 =	vand.u32 $0xFFFFFFC0, v59  }
0x62: {  	v3 =	vor.u32 v3, v4  }
0x63: {  	v4 =	vperm.xlane v3, v0;
	_ =	sdelay $0x1  }
0x64: {  	v4 =	vadd.s32 v1, v4;
	_ =	sdelay $0x3  }
0x65: {  	s0 =	simm.s32 $0xC100  }
0x66: {  	[hbm4b:s3+s2] =	stream.indirect_vreg.scatter [tilespmem:s0], [sflag:$0x1], $0x80, v4, vm0, $0xb8;
	[tilespmem:$0x10100] =	vst v63  }
0x67: {  	v3 =	vperm.xlane v3, v2;
	s0 =	simm.s32 $0xC900  }
0x68: {  	[hbm4b:s5+s2] =	stream.indirect_vreg.scatter [tilespmem:s0], [sflag:$0x1], $0x80, v4, vm0, $0xb8;
	[tilespmem:$0x10100] =	vst v63  }
0x69: {  	v3 =	vadd.s32 v1, v3;
	s0 =	simm.s32 $0xD100  }
0x6a: {  	[hbm4b:s6+s2] =	stream.indirect_vreg.scatter [tilespmem:s0], [sflag:$0x1], $0x80, v4, vm0, $0xb8;
	[tilespmem:$0x10100] =	vst v63  }
0x6b: {  	s0 =	simm.s32 $0xD900  }
0x6c: {  	[hbm4b:s7+s2] =	stream.indirect_vreg.scatter [tilespmem:s0], [sflag:$0x1], $0x80, v4, vm0, $0xb8;
	[tilespmem:$0x10100] =	vst v63  }
0x6d: {  	s0 =	simm.s32 $0xE100  }
0x6e: {  	[hbm4b:s3+s2] =	stream.indirect_vreg.scatter [tilespmem:s0], [sflag:$0x1], $0x80, v3, vm0, $0xb8;
	[tilespmem:$0x10100] =	vst v63  }
0x6f: {  	s0 =	simm.s32 $0xE900  }
0x70: {  	[hbm4b:s5+s2] =	stream.indirect_vreg.scatter [tilespmem:s0], [sflag:$0x1], $0x80, v3, vm0, $0xb8;
	[tilespmem:$0x10100] =	vst v63  }
0x71: {  	s0 =	simm.s32 $0xF100  }
0x72: {  	[hbm4b:s6+s2] =	stream.indirect_vreg.scatter [tilespmem:s0], [sflag:$0x1], $0x80, v3, vm0, $0xb8;
	[tilespmem:$0x10100] =	vst v63  }
0x73: {  	s0 =	simm.s32 $0xF900  }
0x74: {  	[hbm4b:s7+s2] =	stream.indirect_vreg.scatter [tilespmem:s0], [sflag:$0x1], $0x80, v3, vm0, $0xb8;
	[tilespmem:$0x10100] =	vst v63  }
0x75: {  	v3 =	vld [tilespmem:$0x80];
	_ =	sdelay $0x4  }
0x76: {  	v60 =	vshll.u32 v3, $0x3  }
0x77: {  	v3 =	vand.u32 $0x7, v3;
	v4 =	vand.u32 $0xFFFFFFC0, v60  }
0x78: {  	v3 =	vor.u32 v3, v4  }
0x79: {  	v4 =	vperm.xlane v3, v0;
	_ =	sdelay $0x1  }
0x7a: {  	v4 =	vadd.s32 v1, v4;
	_ =	sdelay $0x4  }
0x7b: {  	[hbm4b:s3+s2] =	stream.indirect_vreg.scatter [tilespmem:s19], [sflag:$0x2], $0x80, v4, vm0, $0xb8;
	[tilespmem:$0x10100] =	vst v63  }
0x7c: {  	v3 =	vperm.xlane v3, v2  }
0x7d: {  	[hbm4b:s5+s2] =	stream.indirect_vreg.scatter [tilespmem:s21], [sflag:$0x2], $0x80, v4, vm0, $0xb8;
	[tilespmem:$0x10100] =	vst v63  }
0x7e: {  	v3 =	vadd.s32 v1, v3  }
0x7f: {  	[hbm4b:s6+s2] =	stream.indirect_vreg.scatter [tilespmem:s22], [sflag:$0x2], $0x80, v4, vm0, $0xb8;
	[tilespmem:$0x10100] =	vst v63  }
0x80: {  	_ = 	snop  }
0x81: {  	[hbm4b:s7+s2] =	stream.indirect_vreg.scatter [tilespmem:s23], [sflag:$0x2], $0x80, v4, vm0, $0xb8;
	[tilespmem:$0x10100] =	vst v63  }
0x82: {  	_ = 	snop  }
0x83: {  	[hbm4b:s3+s2] =	stream.indirect_vreg.scatter [tilespmem:s24], [sflag:$0x2], $0x80, v3, vm0, $0xb8;
	[tilespmem:$0x10100] =	vst v63  }
0x84: {  	_ = 	snop  }
0x85: {  	[hbm4b:s5+s2] =	stream.indirect_vreg.scatter [tilespmem:s25], [sflag:$0x2], $0x80, v3, vm0, $0xb8;
	[tilespmem:$0x10100] =	vst v63  }
0x86: {  	_ = 	snop  }
0x87: {  	[hbm4b:s6+s2] =	stream.indirect_vreg.scatter [tilespmem:s26], [sflag:$0x2], $0x80, v3, vm0, $0xb8;
	[tilespmem:$0x10100] =	vst v63  }
0x88: {  	_ = 	snop  }
0x89: {  	[hbm4b:s7+s2] =	stream.indirect_vreg.scatter [tilespmem:s28], [sflag:$0x2], $0x80, v3, vm0, $0xb8;
	[tilespmem:$0x10100] =	vst v63  }
0x8a: {  	v3 =	vld [tilespmem:$0x90];
	_ =	sdelay $0x4  }
0x8b: {  	v61 =	vshll.u32 v3, $0x3  }
0x8c: {  	v3 =	vand.u32 $0x7, v3;
	v4 =	vand.u32 $0xFFFFFFC0, v61  }
0x8d: {  	v3 =	vor.u32 v3, v4  }
0x8e: {  	v4 =	vperm.xlane v3, v0;
	_ =	sdelay $0x1  }
0x8f: {  	v4 =	vadd.s32 v1, v4;
	_ =	sdelay $0x4  }
0x90: {  	[hbm4b:s3+s2] =	stream.indirect_vreg.scatter [tilespmem:s29], [sflag:$0x2], $0x80, v4, vm0, $0xb8;
	[tilespmem:$0x10100] =	vst v63  }
0x91: {  	v3 =	vperm.xlane v3, v2  }
0x92: {  	[hbm4b:s5+s2] =	stream.indirect_vreg.scatter [tilespmem:s30], [sflag:$0x2], $0x80, v4, vm0, $0xb8;
	[tilespmem:$0x10100] =	vst v63  }
0x93: {  	v3 =	vadd.s32 v1, v3  }
0x94: {  	[hbm4b:s6+s2] =	stream.indirect_vreg.scatter [tilespmem:s31], [sflag:$0x2], $0x80, v4, vm0, $0xb8;
	[tilespmem:$0x10100] =	vst v63  }
0x95: {  	s22 =	simm.s32 $0x5900  }
0x96: {  	[hbm4b:s7+s2] =	stream.indirect_vreg.scatter [tilespmem:s22], [sflag:$0x2], $0x80, v4, vm0, $0xb8;
	[tilespmem:$0x10100] =	vst v63  }
0x97: {  	_ = 	snop  }
0x98: {  	[hbm4b:s3+s2] =	stream.indirect_vreg.scatter [tilespmem:s1], [sflag:$0x2], $0x80, v3, vm0, $0xb8;
	[tilespmem:$0x10100] =	vst v63  }
0x99: {  	_ = 	snop  }
0x9a: {  	[hbm4b:s5+s2] =	stream.indirect_vreg.scatter [tilespmem:s4], [sflag:$0x2], $0x80, v3, vm0, $0xb8;
	[tilespmem:$0x10100] =	vst v63  }
0x9b: {  	_ = 	snop  }
0x9c: {  	[hbm4b:s6+s2] =	stream.indirect_vreg.scatter [tilespmem:s11], [sflag:$0x2], $0x80, v3, vm0, $0xb8;
	[tilespmem:$0x10100] =	vst v63  }
0x9d: {  	_ = 	snop  }
0x9e: {  	[hbm4b:s7+s2] =	stream.indirect_vreg.scatter [tilespmem:s12], [sflag:$0x2], $0x80, v3, vm0, $0xb8;
	[tilespmem:$0x10100] =	vst v63  }
0x9f: {  	v3 =	vld [tilespmem:$0xA0];
	_ =	sdelay $0x4  }
0xa0: {  	v62 =	vshll.u32 v3, $0x3  }
0xa1: {  	v3 =	vand.u32 $0x7, v3;
	v4 =	vand.u32 $0xFFFFFFC0, v62  }
0xa2: {  	v3 =	vor.u32 v3, v4  }
0xa3: {  	v4 =	vperm.xlane v3, v0;
	_ =	sdelay $0x1  }
0xa4: {  	v4 =	vadd.s32 v1, v4;
	_ =	sdelay $0x4  }
0xa5: {  	[hbm4b:s3+s2] =	stream.indirect_vreg.scatter [tilespmem:s13], [sflag:$0x2], $0x80, v4, vm0, $0xb8;
	[tilespmem:$0x10100] =	vst v63  }
0xa6: {  	v3 =	vperm.xlane v3, v2  }
0xa7: {  	[hbm4b:s5+s2] =	stream.indirect_vreg.scatter [tilespmem:s14], [sflag:$0x2], $0x80, v4, vm0, $0xb8;
	[tilespmem:$0x10100] =	vst v63  }
0xa8: {  	v3 =	vadd.s32 v1, v3  }
0xa9: {  	[hbm4b:s6+s2] =	stream.indirect_vreg.scatter [tilespmem:s15], [sflag:$0x2], $0x80, v4, vm0, $0xb8;
	[tilespmem:$0x10100] =	vst v63  }
0xaa: {  	_ = 	snop  }
0xab: {  	[hbm4b:s7+s2] =	stream.indirect_vreg.scatter [tilespmem:s16], [sflag:$0x2], $0x80, v4, vm0, $0xb8;
	[tilespmem:$0x10100] =	vst v63  }
0xac: {  	_ = 	snop  }
0xad: {  	[hbm4b:s3+s2] =	stream.indirect_vreg.scatter [tilespmem:s17], [sflag:$0x2], $0x80, v3, vm0, $0xb8;
	[tilespmem:$0x10100] =	vst v63  }
0xae: {  	_ = 	snop  }
0xaf: {  	[hbm4b:s5+s2] =	stream.indirect_vreg.scatter [tilespmem:s18], [sflag:$0x2], $0x80, v3, vm0, $0xb8;
	[tilespmem:$0x10100] =	vst v63  }
0xb0: {  	_ = 	snop  }
0xb1: {  	[hbm4b:s6+s2] =	stream.indirect_vreg.scatter [tilespmem:s10], [sflag:$0x2], $0x80, v3, vm0, $0xb8;
	[tilespmem:$0x10100] =	vst v63  }
0xb2: {  	_ = 	snop  }
0xb3: {  	[hbm4b:s7+s2] =	stream.indirect_vreg.scatter [tilespmem:s20], [sflag:$0x2], $0x80, v3, vm0, $0xb8;
	[tilespmem:$0x10100] =	vst v63  }
0xb4: {  	v3 =	vld [tilespmem:$0xB0];
	_ =	sdelay $0x4  }
0xb5: {  	v63 =	vshll.u32 v3, $0x3  }
0xb6: {  	v3 =	vand.u32 $0x7, v3;
	v4 =	vand.u32 $0xFFFFFFC0, v63  }
0xb7: {  	v3 =	vor.u32 v3, v4  }
0xb8: {  	v4 =	vperm.xlane v3, v0;
	_ =	sdelay $0x1  }
0xb9: {  	v4 =	vadd.s32 v1, v4;
	_ =	sdelay $0x3  }
0xba: {  	s19 =	simm.s32 $0xC100  }
0xbb: {  	[hbm4b:s3+s2] =	stream.indirect_vreg.scatter [tilespmem:s19], [sflag:$0x2], $0x80, v4, vm0, $0xb8;
	[tilespmem:$0x10100] =	vst v63  }
0xbc: {  	s21 =	simm.s32 $0xC900;
	v3 =	vperm.xlane v3, v2  }
0xbd: {  	[hbm4b:s5+s2] =	stream.indirect_vreg.scatter [tilespmem:s21], [sflag:$0x2], $0x80, v4, vm0, $0xb8;
	[tilespmem:$0x10100] =	vst v63  }
0xbe: {  	s22 =	simm.s32 $0xD100;
	v3 =	vadd.s32 v1, v3  }
0xbf: {  	[hbm4b:s6+s2] =	stream.indirect_vreg.scatter [tilespmem:s22], [sflag:$0x2], $0x80, v4, vm0, $0xb8;
	[tilespmem:$0x10100] =	vst v63  }
0xc0: {  	s19 =	simm.s32 $0xD900  }
0xc1: {  	[hbm4b:s7+s2] =	stream.indirect_vreg.scatter [tilespmem:s19], [sflag:$0x2], $0x80, v4, vm0, $0xb8;
	[tilespmem:$0x10100] =	vst v63  }
0xc2: {  	s21 =	simm.s32 $0xE100  }
0xc3: {  	[hbm4b:s3+s2] =	stream.indirect_vreg.scatter [tilespmem:s21], [sflag:$0x2], $0x80, v3, vm0, $0xb8;
	[tilespmem:$0x10100] =	vst v63  }
0xc4: {  	s22 =	simm.s32 $0xE900  }
0xc5: {  	[hbm4b:s5+s2] =	stream.indirect_vreg.scatter [tilespmem:s22], [sflag:$0x2], $0x80, v3, vm0, $0xb8;
	[tilespmem:$0x10100] =	vst v63  }
0xc6: {  	s19 =	simm.s32 $0xF100  }
0xc7: {  	[hbm4b:s6+s2] =	stream.indirect_vreg.scatter [tilespmem:s19], [sflag:$0x2], $0x80, v3, vm0, $0xb8;
	[tilespmem:$0x10100] =	vst v63  }
0xc8: {  	s21 =	simm.s32 $0x1  }
0xc9: {  	[hbm4b:s7+s2] =	stream.indirect_vreg.scatter [tilespmem:s0], [sflag:$0x2], $0x80, v3, vm0, $0xb8;
	[tilespmem:$0x10100] =	vst v63  }
0xca: {  	p0 =	sne.s32 s8, $0x1;
	_ =	swait.ge [sflag:s21], $0x10000  }
.Ltmp0:
0xcb: {  	[sflag:s21] =	ssyncset.done $0x0;
	(pc) =	sbr.rel @p0 .LBB2_1-.Ltmp0, $4  }
0xcc: {  	s22 =	simm.s32 $0x2;
	[sflag:s21] =	ssyncadd.s32 $0xFFFF0000  }
0xcd: {  	_ =	swait.ge [sflag:s22], $0x10000  }
0xce: {  	[sflag:s22] =	ssyncset.done $0x0  }
0xcf: {  	s8 =	sadd.s32 $0xFFFFFFFF, s8;
	[sflag:s22] =	ssyncadd.s32 $0xFFFF0000  }
0xd0: {  	_ =	sfence.sel $0x180000  }
0xd1: {  	[bflag:$0x0] =	sbarrier.arrive $0xFFFF  }
0xd2: {  	_ =	strace $0x90000047  }
0xd3: {  	s0 =	stileid.u32;
	[bflag:$0x2] =	sbarrier.arrive $0xFFFF  }
0xd4: {  	p0 =	sne.s32 s0, $0x0;
	s0 =	rddreg [dreg:$0x2]  }
0xd5: {  	s0 =	sadd.s32 @!p0 $0x100000, s0  }
0xd6: {  	[sflag:s0] =	ssyncadd.tile.s32 @!p0 $0x1;
	_ =	shalt  }
.Lfunc_end2:
_tile_overlayer_lowered:
.L_overlay_start_2:
0xd7: {  	(tag) =	ssettag $0x2  }
0xd8: {  	s0 =	rddreg [dreg:$0x0];
	s2 =	stileid.u32  }
0xd9: {  	s1 =	rddreg [dreg:$0x1];
	p0 =	sne.s32 s2, $0x0  }
0xda: {  	s3 =	rddreg [dreg:$0x2];
	[bflag:$0x3] =	sbarrier.arrive $0xFFFF;
	s2 =	simm.s32 @!p0 $0x1C03  }
0xdb: {  	[timem:s3], [sflag:s2] =	dma.local @!p0 [hbm:s0], s1  }
0xdc: {  	s0 =	simm.s32 @!p0 $0x3  }
0xdd: {  	_ =	swait.ge @!p0 [sflag:s0], s1  }
0xde: {  	s1 =	ssub.s32 @!p0 $0x0, s1;
	[sflag:s0] =	ssyncset.done @!p0 $0x0  }
0xdf: {  	[sflag:s0] =	ssyncadd.s32 @!p0 s1  }
0xe0: {  	[bflag:$0x3] =	sbarrier.arrive $0xFFFF  }
0xe1: {  	_ =	shalt  }

</sc_bundles>
